<compile_context>
chip_gen: v7x
topology: tpu7x:2x2x1
jax: 0.10.2.dev20260603
libtpu: 0.0.44.dev20260713+nightly
codegen_flags: <defaults>
</compile_context>

<pallas_src>
import functools

import jax
import jax.numpy as jnp
from jax import lax
from jax.experimental import pallas as pl
from jax.experimental.pallas import tpu as pltpu
from jax.experimental.pallas import tpu_sc as plsc

_LANES = 16
_CHUNKS = (128, 256, 128)
_CHUNK_MAX = max(_CHUNKS)


def _sc_gather_call(n_rows, n_cols, n_table, num_workers, num_cores):
    cols_per_w = n_cols // num_workers
    assert cols_per_w == sum(_CHUNKS)
    n_chunks = len(_CHUNKS)
    chunk_off = [sum(_CHUNKS[:i]) for i in range(n_chunks)]
    mesh = plsc.VectorSubcoreMesh(core_axis_name="c", subcore_axis_name="s")

    @functools.partial(
        pl.kernel,
        mesh=mesh,
        out_type=jax.ShapeDtypeStruct((n_rows, n_cols), jnp.float32),
        scratch_types=[
            pltpu.VMEM((n_table,), jnp.float32),
            pltpu.VMEM((n_rows, _CHUNK_MAX), jnp.int32),
            pltpu.VMEM((n_rows, _CHUNK_MAX), jnp.int32),
            pltpu.VMEM((n_rows, _CHUNK_MAX), jnp.float32),
            pltpu.VMEM((n_rows, _CHUNK_MAX), jnp.float32),
            pltpu.SemaphoreType.DMA,
            pltpu.SemaphoreType.DMA,
            pltpu.SemaphoreType.DMA,
            pltpu.SemaphoreType.DMA,
        ],
        compiler_params=pltpu.CompilerParams(
            needs_layout_passes=False,
            disable_bounds_checks=True,
        ),
    )
    def sc_gather(
        table_hbm, idx_hbm, out_hbm,
        table_v, idx_v0, idx_v1, out_v0, out_v1, sin0, sin1, sout0, sout1,
    ):
        idx_bufs = (idx_v0, idx_v1)
        out_bufs = (out_v0, out_v1)
        sins = (sin0, sin1)
        souts = (sout0, sout1)
        wid = lax.axis_index("s") * num_cores + lax.axis_index("c")
        base = wid * cols_per_w

        def copy_in(k, b):
            sz = _CHUNKS[k]
            return pltpu.async_copy(
                idx_hbm.at[:, pl.ds(base + chunk_off[k], sz)],
                idx_bufs[b].at[:, pl.ds(0, sz)],
                sins[b],
            )

        in_cps = [None, None]
        out_cps = [None, None]
        in_cps[0] = copy_in(0, 0)
        if n_chunks > 1:
            in_cps[1] = copy_in(1, 1)
        pltpu.sync_copy(table_hbm, table_v)
        for k in range(n_chunks):
            b = k & 1
            sz = _CHUNKS[k]
            in_cps[b].wait()
            if out_cps[b] is not None:
                out_cps[b].wait()
            iv_buf = idx_bufs[b]
            ov_buf = out_bufs[b]

            @plsc.parallel_loop(0, n_rows, step=1, unroll=2)
            def body(r, iv_buf=iv_buf, ov_buf=ov_buf, sz=sz):
                for j in range(sz // _LANES):
                    c = j * _LANES
                    iv = iv_buf[r, pl.ds(c, _LANES)]
                    ov_buf[r, pl.ds(c, _LANES)] = plsc.load_gather(table_v, [iv])

            if k + 2 < n_chunks:
                in_cps[b] = copy_in(k + 2, b)
            out_cps[b] = pltpu.async_copy(
                ov_buf.at[:, pl.ds(0, sz)],
                out_hbm.at[:, pl.ds(base + chunk_off[k], sz)],
                souts[b],
            )
        for cp in out_cps:
            if cp is not None:
                cp.wait()

    return sc_gather


def kernel(propensities, position):
    n_rows, n_cols = position.shape
    idx_t = position.astype(jnp.int32).T
    table = propensities.astype(jnp.float32)

    info = plsc.get_sparse_core_info()
    num_workers = info.num_cores * info.num_subcores
    fn = _sc_gather_call(n_cols, n_rows, table.shape[0], num_workers, info.num_cores)
    return fn(table, idx_t).T

# --- scband reference (transcript-rebuilt; emitter-appended) ---
"""Pipeline reference for scband-pretrained-examination-model-60318520705305 (READ-ONLY COPY).

The authoritative reference and input builder live on the scoring server;
editing this copy changes nothing except your own understanding.
"""

import jax, jax.numpy as jnp
import numpy as np

NUM_POSITIONS = 50
BATCH = 16384
LIST_LEN = 50


def setup_inputs(seed: int = 0) -> dict:
    key = jax.random.key(seed)
    k1, k2 = jax.random.split(key)
    # position indices for each (query, rank slot)
    position = jax.random.randint(k1, (BATCH, LIST_LEN), 0, NUM_POSITIONS, dtype=jnp.int64)
    # 'pretrained' propensities that the module would load from CSV (row 1 of the file);
    # examination propensities typically decay with rank, perturbed slightly.
    base = 1.0 / (1.0 + jnp.arange(NUM_POSITIONS, dtype=jnp.float32))
    noise = 0.01 * jax.random.uniform(k2, (NUM_POSITIONS,), dtype=jnp.float32)
    propensities = base + noise
    return {"propensities": propensities, "position": position}


def reference(propensities, position):
    # Faithful translation of: self.model = lambda x: propensities[x]
    # __call__ returns self.model(batch['position'])
    return jnp.take(propensities, position, axis=0)

if __name__ == "__main__":
    import jax
    _d = setup_inputs()
    print(jax.jit(kernel)(*tuple(_d.values())))

</pallas_src>

<mosaic_0001>
#map = affine_map<(d0, d1) -> (0)>
#map1 = affine_map<(d0, d1) -> (0, 0)>
module attributes {stable_mosaic.version = 14 : i64} {
  func.func @sc_gather(%arg0: i32, %arg1: i32, %arg2: memref<50xf32, #tpu.memory_space<hbm>>, %arg3: memref<50x16384xi32, #tpu.memory_space<hbm>>, %arg4: memref<50x16384xf32, #tpu.memory_space<hbm>>, %arg5: memref<50xf32, #tpu.memory_space<vmem>>, %arg6: memref<50x256xi32, #tpu.memory_space<vmem>>, %arg7: memref<50x256xi32, #tpu.memory_space<vmem>>, %arg8: memref<50x256xf32, #tpu.memory_space<vmem>>, %arg9: memref<50x256xf32, #tpu.memory_space<vmem>>, %arg10: memref<!tpu.dma_semaphore, #tpu.memory_space<semaphore_mem>>, %arg11: memref<!tpu.dma_semaphore, #tpu.memory_space<semaphore_mem>>, %arg12: memref<!tpu.dma_semaphore, #tpu.memory_space<semaphore_mem>>, %arg13: memref<!tpu.dma_semaphore, #tpu.memory_space<semaphore_mem>>) attributes {dimension_semantics = [#tpu.dimension_semantics<core_parallel>, #tpu.dimension_semantics<subcore_parallel>], iteration_bounds = array<i64: 2, 16>, scalar_prefetch = 0 : i64, scratch_operands = 9 : i64, tpu.core_type = #tpu.core_type<sc_vector_subcore>, window_params = [{transform_indices = #map}, {transform_indices = #map1}, {transform_indices = #map1}]} {
    %mul3A = arith.constant 2 : i32
    %mul3A_0 = arith.muli %arg1, %mul3A : i32
    %add3A = arith.addi %mul3A_0, %arg0 : i32
    %mul3A_1 = arith.constant 512 : i32
    %mul3A_2 = arith.muli %add3A, %mul3A_1 : i32
    %add3A_3 = arith.constant 0 : i32
    %add3A_4 = arith.addi %mul3A_2, %add3A_3 : i32
    %dma_start3A = arith.constant 0 : i32
    %dma_start3A_5 = arith.constant 0 : i32
    %dma_start3A_6 = tpu.memref_slice %arg6[%dma_start3A, %dma_start3A_5] : memref<50x256xi32, #tpu.memory_space<vmem>> -> memref<50x128xi32, #tpu.memory_space<vmem>>
    %dma_start3A_7 = arith.constant 0 : i32
    %dma_start3A_8 = tpu.memref_slice %arg3[%dma_start3A_7, %add3A_4] : memref<50x16384xi32, #tpu.memory_space<hbm>> -> memref<50x128xi32, #tpu.memory_space<hbm>>
    %dma_start3A_9 = arith.constant 0 : i32
    %dma_start3A_10 = arith.constant 0 : i32
    %dma_start3A_11 = tpu.memref_slice %arg6[%dma_start3A_9, %dma_start3A_10] : memref<50x256xi32, #tpu.memory_space<vmem>> -> memref<50x128xi32, #tpu.memory_space<vmem>>
    %dma_start3A_12 = arith.constant 0 : i32
    %dma_start3A_13 = tpu.memref_slice %arg3[%dma_start3A_12, %add3A_4] : memref<50x16384xi32, #tpu.memory_space<hbm>> -> memref<50x128xi32, #tpu.memory_space<hbm>>
    tpu.enqueue_dma source(%dma_start3A_13 : memref<50x128xi32, #tpu.memory_space<hbm>>) target(%dma_start3A_11 : memref<50x128xi32, #tpu.memory_space<vmem>>) target_semaphore(%arg10 : memref<!tpu.dma_semaphore, #tpu.memory_space<semaphore_mem>>)
    %add3A_14 = arith.constant 128 : i32
    %add3A_15 = arith.addi %mul3A_2, %add3A_14 : i32
    %dma_start3A_16 = arith.constant 0 : i32
    %dma_start3A_17 = arith.constant 0 : i32
    %dma_start3A_18 = tpu.memref_slice %arg7[%dma_start3A_16, %dma_start3A_17] : memref<50x256xi32, #tpu.memory_space<vmem>> -> memref<50x256xi32, #tpu.memory_space<vmem>>
    %dma_start3A_19 = arith.constant 0 : i32
    %dma_start3A_20 = tpu.memref_slice %arg3[%dma_start3A_19, %add3A_15] : memref<50x16384xi32, #tpu.memory_space<hbm>> -> memref<50x256xi32, #tpu.memory_space<hbm>>
    %dma_start3A_21 = arith.constant 0 : i32
    %dma_start3A_22 = arith.constant 0 : i32
    %dma_start3A_23 = tpu.memref_slice %arg7[%dma_start3A_21, %dma_start3A_22] : memref<50x256xi32, #tpu.memory_space<vmem>> -> memref<50x256xi32, #tpu.memory_space<vmem>>
    %dma_start3A_24 = arith.constant 0 : i32
    %dma_start3A_25 = tpu.memref_slice %arg3[%dma_start3A_24, %add3A_15] : memref<50x16384xi32, #tpu.memory_space<hbm>> -> memref<50x256xi32, #tpu.memory_space<hbm>>
    tpu.enqueue_dma source(%dma_start3A_25 : memref<50x256xi32, #tpu.memory_space<hbm>>) target(%dma_start3A_23 : memref<50x256xi32, #tpu.memory_space<vmem>>) target_semaphore(%arg11 : memref<!tpu.dma_semaphore, #tpu.memory_space<semaphore_mem>>)
    "tpu.region"() ({
      %run_scoped3A = tpu.sem_alloc : memref<!tpu.dma_semaphore, #tpu.memory_space<semaphore_mem>>
      tpu.enqueue_dma source(%arg2 : memref<50xf32, #tpu.memory_space<hbm>>) target(%arg5 : memref<50xf32, #tpu.memory_space<vmem>>) target_semaphore(%run_scoped3A : memref<!tpu.dma_semaphore, #tpu.memory_space<semaphore_mem>>)
      tpu.wait_dma2 semaphore(%run_scoped3A : memref<!tpu.dma_semaphore, #tpu.memory_space<semaphore_mem>>) src(%arg2 : memref<50xf32, #tpu.memory_space<hbm>>) dst(%arg5 : memref<50xf32, #tpu.memory_space<vmem>>)
      tpu.yield
    }) : () -> ()
    %dma_wait3A = arith.constant 0 : i32
    %dma_wait3A_26 = arith.constant 0 : i32
    %dma_wait3A_27 = tpu.memref_slice %arg6[%dma_wait3A, %dma_wait3A_26] : memref<50x256xi32, #tpu.memory_space<vmem>> -> memref<50x128xi32, #tpu.memory_space<vmem>>
    %dma_wait3A_28 = arith.constant 0 : i32
    %dma_wait3A_29 = tpu.memref_slice %arg3[%dma_wait3A_28, %add3A_4] : memref<50x16384xi32, #tpu.memory_space<hbm>> -> memref<50x128xi32, #tpu.memory_space<hbm>>
    %dma_wait3A_30 = arith.constant 0 : i32
    %dma_wait3A_31 = arith.constant 0 : i32
    %dma_wait3A_32 = tpu.memref_slice %arg6[%dma_wait3A_30, %dma_wait3A_31] : memref<50x256xi32, #tpu.memory_space<vmem>> -> memref<50x128xi32, #tpu.memory_space<vmem>>
    %dma_wait3A_33 = arith.constant 0 : i32
    %dma_wait3A_34 = tpu.memref_slice %arg3[%dma_wait3A_33, %add3A_4] : memref<50x16384xi32, #tpu.memory_space<hbm>> -> memref<50x128xi32, #tpu.memory_space<hbm>>
    tpu.wait_dma2 semaphore(%arg10 : memref<!tpu.dma_semaphore, #tpu.memory_space<semaphore_mem>>) src(%dma_wait3A_34 : memref<50x128xi32, #tpu.memory_space<hbm>>) dst(%dma_wait3A_32 : memref<50x128xi32, #tpu.memory_space<vmem>>)
    %parallel_loop3A = arith.constant 0 : i32
    %parallel_loop3A_35 = arith.constant 50 : i32
    %parallel_loop3A_36 = arith.constant 1 : i32
    scf.for %parallel_loop3A_141 = %parallel_loop3A to %parallel_loop3A_35 step %parallel_loop3A_36  : i32 {
      %parallel_loop3A_142 = arith.index_cast %parallel_loop3A_141 : i32 to index
      %parallel_loop3A_143 = arith.constant 0 : index
      %parallel_loop3A_144 = tpu.vector_load %arg6[%parallel_loop3A_142, %parallel_loop3A_143] {strides = array<i32>} : memref<50x256xi32, #tpu.memory_space<vmem>>, vector<16xi32>,
      %parallel_loop3A_145 = tpu.vector_load_idx %arg5[%parallel_loop3A_144] : memref<50xf32, #tpu.memory_space<vmem>>[vector<16xi32>], vector<16xf32>,
      %parallel_loop3A_146 = arith.index_cast %parallel_loop3A_141 : i32 to index
      %parallel_loop3A_147 = arith.constant 0 : index
      %parallel_loop3A_148 = tpu.vector_load %arg8[%parallel_loop3A_146, %parallel_loop3A_147] {strides = array<i32>} : memref<50x256xf32, #tpu.memory_space<vmem>>, vector<16xf32>,
      tpu.vector_store %arg8[%parallel_loop3A_146, %parallel_loop3A_147], %parallel_loop3A_145 {strides = array<i32>} : memref<50x256xf32, #tpu.memory_space<vmem>>, vector<16xf32>,
      %parallel_loop3A_149 = arith.index_cast %parallel_loop3A_141 : i32 to index
      %parallel_loop3A_150 = arith.constant 16 : index
      %parallel_loop3A_151 = tpu.vector_load %arg6[%parallel_loop3A_149, %parallel_loop3A_150] {strides = array<i32>} : memref<50x256xi32, #tpu.memory_space<vmem>>, vector<16xi32>,
      %parallel_loop3A_152 = tpu.vector_load_idx %arg5[%parallel_loop3A_151] : memref<50xf32, #tpu.memory_space<vmem>>[vector<16xi32>], vector<16xf32>,
      %parallel_loop3A_153 = arith.index_cast %parallel_loop3A_141 : i32 to index
      %parallel_loop3A_154 = arith.constant 16 : index
      %parallel_loop3A_155 = tpu.vector_load %arg8[%parallel_loop3A_153, %parallel_loop3A_154] {strides = array<i32>} : memref<50x256xf32, #tpu.memory_space<vmem>>, vector<16xf32>,
      tpu.vector_store %arg8[%parallel_loop3A_153, %parallel_loop3A_154], %parallel_loop3A_152 {strides = array<i32>} : memref<50x256xf32, #tpu.memory_space<vmem>>, vector<16xf32>,
      %parallel_loop3A_156 = arith.index_cast %parallel_loop3A_141 : i32 to index
      %parallel_loop3A_157 = arith.constant 32 : index
      %parallel_loop3A_158 = tpu.vector_load %arg6[%parallel_loop3A_156, %parallel_loop3A_157] {strides = array<i32>} : memref<50x256xi32, #tpu.memory_space<vmem>>, vector<16xi32>,
      %parallel_loop3A_159 = tpu.vector_load_idx %arg5[%parallel_loop3A_158] : memref<50xf32, #tpu.memory_space<vmem>>[vector<16xi32>], vector<16xf32>,
      %parallel_loop3A_160 = arith.index_cast %parallel_loop3A_141 : i32 to index
      %parallel_loop3A_161 = arith.constant 32 : index
      %parallel_loop3A_162 = tpu.vector_load %arg8[%parallel_loop3A_160, %parallel_loop3A_161] {strides = array<i32>} : memref<50x256xf32, #tpu.memory_space<vmem>>, vector<16xf32>,
      tpu.vector_store %arg8[%parallel_loop3A_160, %parallel_loop3A_161], %parallel_loop3A_159 {strides = array<i32>} : memref<50x256xf32, #tpu.memory_space<vmem>>, vector<16xf32>,
      %parallel_loop3A_163 = arith.index_cast %parallel_loop3A_141 : i32 to index
      %parallel_loop3A_164 = arith.constant 48 : index
      %parallel_loop3A_165 = tpu.vector_load %arg6[%parallel_loop3A_163, %parallel_loop3A_164] {strides = array<i32>} : memref<50x256xi32, #tpu.memory_space<vmem>>, vector<16xi32>,
      %parallel_loop3A_166 = tpu.vector_load_idx %arg5[%parallel_loop3A_165] : memref<50xf32, #tpu.memory_space<vmem>>[vector<16xi32>], vector<16xf32>,
      %parallel_loop3A_167 = arith.index_cast %parallel_loop3A_141 : i32 to index
      %parallel_loop3A_168 = arith.constant 48 : index
      %parallel_loop3A_169 = tpu.vector_load %arg8[%parallel_loop3A_167, %parallel_loop3A_168] {strides = array<i32>} : memref<50x256xf32, #tpu.memory_space<vmem>>, vector<16xf32>,
      tpu.vector_store %arg8[%parallel_loop3A_167, %parallel_loop3A_168], %parallel_loop3A_166 {strides = array<i32>} : memref<50x256xf32, #tpu.memory_space<vmem>>, vector<16xf32>,
      %parallel_loop3A_170 = arith.index_cast %parallel_loop3A_141 : i32 to index
      %parallel_loop3A_171 = arith.constant 64 : index
      %parallel_loop3A_172 = tpu.vector_load %arg6[%parallel_loop3A_170, %parallel_loop3A_171] {strides = array<i32>} : memref<50x256xi32, #tpu.memory_space<vmem>>, vector<16xi32>,
      %parallel_loop3A_173 = tpu.vector_load_idx %arg5[%parallel_loop3A_172] : memref<50xf32, #tpu.memory_space<vmem>>[vector<16xi32>], vector<16xf32>,
      %parallel_loop3A_174 = arith.index_cast %parallel_loop3A_141 : i32 to index
      %parallel_loop3A_175 = arith.constant 64 : index
      %parallel_loop3A_176 = tpu.vector_load %arg8[%parallel_loop3A_174, %parallel_loop3A_175] {strides = array<i32>} : memref<50x256xf32, #tpu.memory_space<vmem>>, vector<16xf32>,
      tpu.vector_store %arg8[%parallel_loop3A_174, %parallel_loop3A_175], %parallel_loop3A_173 {strides = array<i32>} : memref<50x256xf32, #tpu.memory_space<vmem>>, vector<16xf32>,
      %parallel_loop3A_177 = arith.index_cast %parallel_loop3A_141 : i32 to index
      %parallel_loop3A_178 = arith.constant 80 : index
      %parallel_loop3A_179 = tpu.vector_load %arg6[%parallel_loop3A_177, %parallel_loop3A_178] {strides = array<i32>} : memref<50x256xi32, #tpu.memory_space<vmem>>, vector<16xi32>,
      %parallel_loop3A_180 = tpu.vector_load_idx %arg5[%parallel_loop3A_179] : memref<50xf32, #tpu.memory_space<vmem>>[vector<16xi32>], vector<16xf32>,
      %parallel_loop3A_181 = arith.index_cast %parallel_loop3A_141 : i32 to index
      %parallel_loop3A_182 = arith.constant 80 : index
      %parallel_loop3A_183 = tpu.vector_load %arg8[%parallel_loop3A_181, %parallel_loop3A_182] {strides = array<i32>} : memref<50x256xf32, #tpu.memory_space<vmem>>, vector<16xf32>,
      tpu.vector_store %arg8[%parallel_loop3A_181, %parallel_loop3A_182], %parallel_loop3A_180 {strides = array<i32>} : memref<50x256xf32, #tpu.memory_space<vmem>>, vector<16xf32>,
      %parallel_loop3A_184 = arith.index_cast %parallel_loop3A_141 : i32 to index
      %parallel_loop3A_185 = arith.constant 96 : index
      %parallel_loop3A_186 = tpu.vector_load %arg6[%parallel_loop3A_184, %parallel_loop3A_185] {strides = array<i32>} : memref<50x256xi32, #tpu.memory_space<vmem>>, vector<16xi32>,
      %parallel_loop3A_187 = tpu.vector_load_idx %arg5[%parallel_loop3A_186] : memref<50xf32, #tpu.memory_space<vmem>>[vector<16xi32>], vector<16xf32>,
      %parallel_loop3A_188 = arith.index_cast %parallel_loop3A_141 : i32 to index
      %parallel_loop3A_189 = arith.constant 96 : index
      %parallel_loop3A_190 = tpu.vector_load %arg8[%parallel_loop3A_188, %parallel_loop3A_189] {strides = array<i32>} : memref<50x256xf32, #tpu.memory_space<vmem>>, vector<16xf32>,
      tpu.vector_store %arg8[%parallel_loop3A_188, %parallel_loop3A_189], %parallel_loop3A_187 {strides = array<i32>} : memref<50x256xf32, #tpu.memory_space<vmem>>, vector<16xf32>,
      %parallel_loop3A_191 = arith.index_cast %parallel_loop3A_141 : i32 to index
      %parallel_loop3A_192 = arith.constant 112 : index
      %parallel_loop3A_193 = tpu.vector_load %arg6[%parallel_loop3A_191, %parallel_loop3A_192] {strides = array<i32>} : memref<50x256xi32, #tpu.memory_space<vmem>>, vector<16xi32>,
      %parallel_loop3A_194 = tpu.vector_load_idx %arg5[%parallel_loop3A_193] : memref<50xf32, #tpu.memory_space<vmem>>[vector<16xi32>], vector<16xf32>,
      %parallel_loop3A_195 = arith.index_cast %parallel_loop3A_141 : i32 to index
      %parallel_loop3A_196 = arith.constant 112 : index
      %parallel_loop3A_197 = tpu.vector_load %arg8[%parallel_loop3A_195, %parallel_loop3A_196] {strides = array<i32>} : memref<50x256xf32, #tpu.memory_space<vmem>>, vector<16xf32>,
      tpu.vector_store %arg8[%parallel_loop3A_195, %parallel_loop3A_196], %parallel_loop3A_194 {strides = array<i32>} : memref<50x256xf32, #tpu.memory_space<vmem>>, vector<16xf32>,
    } {sc.loop_unroll_factor = 2 : i64, sc.parallel_access}
    %add3A_37 = arith.constant 384 : i32
    %add3A_38 = arith.addi %mul3A_2, %add3A_37 : i32
    %dma_start3A_39 = arith.constant 0 : i32
    %dma_start3A_40 = arith.constant 0 : i32
    %dma_start3A_41 = tpu.memref_slice %arg6[%dma_start3A_39, %dma_start3A_40] : memref<50x256xi32, #tpu.memory_space<vmem>> -> memref<50x128xi32, #tpu.memory_space<vmem>>
    %dma_start3A_42 = arith.constant 0 : i32
    %dma_start3A_43 = tpu.memref_slice %arg3[%dma_start3A_42, %add3A_38] : memref<50x16384xi32, #tpu.memory_space<hbm>> -> memref<50x128xi32, #tpu.memory_space<hbm>>
    %dma_start3A_44 = arith.constant 0 : i32
    %dma_start3A_45 = arith.constant 0 : i32
    %dma_start3A_46 = tpu.memref_slice %arg6[%dma_start3A_44, %dma_start3A_45] : memref<50x256xi32, #tpu.memory_space<vmem>> -> memref<50x128xi32, #tpu.memory_space<vmem>>
    %dma_start3A_47 = arith.constant 0 : i32
    %dma_start3A_48 = tpu.memref_slice %arg3[%dma_start3A_47, %add3A_38] : memref<50x16384xi32, #tpu.memory_space<hbm>> -> memref<50x128xi32, #tpu.memory_space<hbm>>
    tpu.enqueue_dma source(%dma_start3A_48 : memref<50x128xi32, #tpu.memory_space<hbm>>) target(%dma_start3A_46 : memref<50x128xi32, #tpu.memory_space<vmem>>) target_semaphore(%arg10 : memref<!tpu.dma_semaphore, #tpu.memory_space<semaphore_mem>>)
    %add3A_49 = arith.constant 0 : i32
    %add3A_50 = arith.addi %mul3A_2, %add3A_49 : i32
    %dma_start3A_51 = arith.constant 0 : i32
    %dma_start3A_52 = arith.constant 0 : i32
    %dma_start3A_53 = tpu.memref_slice %arg8[%dma_start3A_51, %dma_start3A_52] : memref<50x256xf32, #tpu.memory_space<vmem>> -> memref<50x128xf32, #tpu.memory_space<vmem>>
    %dma_start3A_54 = arith.constant 0 : i32
    %dma_start3A_55 = tpu.memref_slice %arg4[%dma_start3A_54, %add3A_50] : memref<50x16384xf32, #tpu.memory_space<hbm>> -> memref<50x128xf32, #tpu.memory_space<hbm>>
    %dma_start3A_56 = arith.constant 0 : i32
    %dma_start3A_57 = tpu.memref_slice %arg4[%dma_start3A_56, %add3A_50] : memref<50x16384xf32, #tpu.memory_space<hbm>> -> memref<50x128xf32, #tpu.memory_space<hbm>>
    %dma_start3A_58 = arith.constant 0 : i32
    %dma_start3A_59 = arith.constant 0 : i32
    %dma_start3A_60 = tpu.memref_slice %arg8[%dma_start3A_58, %dma_start3A_59] : memref<50x256xf32, #tpu.memory_space<vmem>> -> memref<50x128xf32, #tpu.memory_space<vmem>>
    tpu.enqueue_dma source(%dma_start3A_60 : memref<50x128xf32, #tpu.memory_space<vmem>>) target(%dma_start3A_57 : memref<50x128xf32, #tpu.memory_space<hbm>>) target_semaphore(%arg12 : memref<!tpu.dma_semaphore, #tpu.memory_space<semaphore_mem>>)
    %dma_wait3A_61 = arith.constant 0 : i32
    %dma_wait3A_62 = arith.constant 0 : i32
    %dma_wait3A_63 = tpu.memref_slice %arg7[%dma_wait3A_61, %dma_wait3A_62] : memref<50x256xi32, #tpu.memory_space<vmem>> -> memref<50x256xi32, #tpu.memory_space<vmem>>
    %dma_wait3A_64 = arith.constant 0 : i32
    %dma_wait3A_65 = tpu.memref_slice %arg3[%dma_wait3A_64, %add3A_15] : memref<50x16384xi32, #tpu.memory_space<hbm>> -> memref<50x256xi32, #tpu.memory_space<hbm>>
    %dma_wait3A_66 = arith.constant 0 : i32
    %dma_wait3A_67 = arith.constant 0 : i32
    %dma_wait3A_68 = tpu.memref_slice %arg7[%dma_wait3A_66, %dma_wait3A_67] : memref<50x256xi32, #tpu.memory_space<vmem>> -> memref<50x256xi32, #tpu.memory_space<vmem>>
    %dma_wait3A_69 = arith.constant 0 : i32
    %dma_wait3A_70 = tpu.memref_slice %arg3[%dma_wait3A_69, %add3A_15] : memref<50x16384xi32, #tpu.memory_space<hbm>> -> memref<50x256xi32, #tpu.memory_space<hbm>>
    tpu.wait_dma2 semaphore(%arg11 : memref<!tpu.dma_semaphore, #tpu.memory_space<semaphore_mem>>) src(%dma_wait3A_70 : memref<50x256xi32, #tpu.memory_space<hbm>>) dst(%dma_wait3A_68 : memref<50x256xi32, #tpu.memory_space<vmem>>)
    %parallel_loop3A_71 = arith.constant 0 : i32
    %parallel_loop3A_72 = arith.constant 50 : i32
    %parallel_loop3A_73 = arith.constant 1 : i32
    scf.for %parallel_loop3A_141 = %parallel_loop3A_71 to %parallel_loop3A_72 step %parallel_loop3A_73  : i32 {
      %parallel_loop3A_142 = arith.index_cast %parallel_loop3A_141 : i32 to index
      %parallel_loop3A_143 = arith.constant 0 : index
      %parallel_loop3A_144 = tpu.vector_load %arg7[%parallel_loop3A_142, %parallel_loop3A_143] {strides = array<i32>} : memref<50x256xi32, #tpu.memory_space<vmem>>, vector<16xi32>,
      %parallel_loop3A_145 = tpu.vector_load_idx %arg5[%parallel_loop3A_144] : memref<50xf32, #tpu.memory_space<vmem>>[vector<16xi32>], vector<16xf32>,
      %parallel_loop3A_146 = arith.index_cast %parallel_loop3A_141 : i32 to index
      %parallel_loop3A_147 = arith.constant 0 : index
      %parallel_loop3A_148 = tpu.vector_load %arg9[%parallel_loop3A_146, %parallel_loop3A_147] {strides = array<i32>} : memref<50x256xf32, #tpu.memory_space<vmem>>, vector<16xf32>,
      tpu.vector_store %arg9[%parallel_loop3A_146, %parallel_loop3A_147], %parallel_loop3A_145 {strides = array<i32>} : memref<50x256xf32, #tpu.memory_space<vmem>>, vector<16xf32>,
      %parallel_loop3A_149 = arith.index_cast %parallel_loop3A_141 : i32 to index
      %parallel_loop3A_150 = arith.constant 16 : index
      %parallel_loop3A_151 = tpu.vector_load %arg7[%parallel_loop3A_149, %parallel_loop3A_150] {strides = array<i32>} : memref<50x256xi32, #tpu.memory_space<vmem>>, vector<16xi32>,
      %parallel_loop3A_152 = tpu.vector_load_idx %arg5[%parallel_loop3A_151] : memref<50xf32, #tpu.memory_space<vmem>>[vector<16xi32>], vector<16xf32>,
      %parallel_loop3A_153 = arith.index_cast %parallel_loop3A_141 : i32 to index
      %parallel_loop3A_154 = arith.constant 16 : index
      %parallel_loop3A_155 = tpu.vector_load %arg9[%parallel_loop3A_153, %parallel_loop3A_154] {strides = array<i32>} : memref<50x256xf32, #tpu.memory_space<vmem>>, vector<16xf32>,
      tpu.vector_store %arg9[%parallel_loop3A_153, %parallel_loop3A_154], %parallel_loop3A_152 {strides = array<i32>} : memref<50x256xf32, #tpu.memory_space<vmem>>, vector<16xf32>,
      %parallel_loop3A_156 = arith.index_cast %parallel_loop3A_141 : i32 to index
      %parallel_loop3A_157 = arith.constant 32 : index
      %parallel_loop3A_158 = tpu.vector_load %arg7[%parallel_loop3A_156, %parallel_loop3A_157] {strides = array<i32>} : memref<50x256xi32, #tpu.memory_space<vmem>>, vector<16xi32>,
      %parallel_loop3A_159 = tpu.vector_load_idx %arg5[%parallel_loop3A_158] : memref<50xf32, #tpu.memory_space<vmem>>[vector<16xi32>], vector<16xf32>,
      %parallel_loop3A_160 = arith.index_cast %parallel_loop3A_141 : i32 to index
      %parallel_loop3A_161 = arith.constant 32 : index
      %parallel_loop3A_162 = tpu.vector_load %arg9[%parallel_loop3A_160, %parallel_loop3A_161] {strides = array<i32>} : memref<50x256xf32, #tpu.memory_space<vmem>>, vector<16xf32>,
      tpu.vector_store %arg9[%parallel_loop3A_160, %parallel_loop3A_161], %parallel_loop3A_159 {strides = array<i32>} : memref<50x256xf32, #tpu.memory_space<vmem>>, vector<16xf32>,
      %parallel_loop3A_163 = arith.index_cast %parallel_loop3A_141 : i32 to index
      %parallel_loop3A_164 = arith.constant 48 : index
      %parallel_loop3A_165 = tpu.vector_load %arg7[%parallel_loop3A_163, %parallel_loop3A_164] {strides = array<i32>} : memref<50x256xi32, #tpu.memory_space<vmem>>, vector<16xi32>,
      %parallel_loop3A_166 = tpu.vector_load_idx %arg5[%parallel_loop3A_165] : memref<50xf32, #tpu.memory_space<vmem>>[vector<16xi32>], vector<16xf32>,
      %parallel_loop3A_167 = arith.index_cast %parallel_loop3A_141 : i32 to index
      %parallel_loop3A_168 = arith.constant 48 : index
      %parallel_loop3A_169 = tpu.vector_load %arg9[%parallel_loop3A_167, %parallel_loop3A_168] {strides = array<i32>} : memref<50x256xf32, #tpu.memory_space<vmem>>, vector<16xf32>,
      tpu.vector_store %arg9[%parallel_loop3A_167, %parallel_loop3A_168], %parallel_loop3A_166 {strides = array<i32>} : memref<50x256xf32, #tpu.memory_space<vmem>>, vector<16xf32>,
      %parallel_loop3A_170 = arith.index_cast %parallel_loop3A_141 : i32 to index
      %parallel_loop3A_171 = arith.constant 64 : index
      %parallel_loop3A_172 = tpu.vector_load %arg7[%parallel_loop3A_170, %parallel_loop3A_171] {strides = array<i32>} : memref<50x256xi32, #tpu.memory_space<vmem>>, vector<16xi32>,
      %parallel_loop3A_173 = tpu.vector_load_idx %arg5[%parallel_loop3A_172] : memref<50xf32, #tpu.memory_space<vmem>>[vector<16xi32>], vector<16xf32>,
      %parallel_loop3A_174 = arith.index_cast %parallel_loop3A_141 : i32 to index
      %parallel_loop3A_175 = arith.constant 64 : index
      %parallel_loop3A_176 = tpu.vector_load %arg9[%parallel_loop3A_174, %parallel_loop3A_175] {strides = array<i32>} : memref<50x256xf32, #tpu.memory_space<vmem>>, vector<16xf32>,
      tpu.vector_store %arg9[%parallel_loop3A_174, %parallel_loop3A_175], %parallel_loop3A_173 {strides = array<i32>} : memref<50x256xf32, #tpu.memory_space<vmem>>, vector<16xf32>,
      %parallel_loop3A_177 = arith.index_cast %parallel_loop3A_141 : i32 to index
      %parallel_loop3A_178 = arith.constant 80 : index
      %parallel_loop3A_179 = tpu.vector_load %arg7[%parallel_loop3A_177, %parallel_loop3A_178] {strides = array<i32>} : memref<50x256xi32, #tpu.memory_space<vmem>>, vector<16xi32>,
      %parallel_loop3A_180 = tpu.vector_load_idx %arg5[%parallel_loop3A_179] : memref<50xf32, #tpu.memory_space<vmem>>[vector<16xi32>], vector<16xf32>,
      %parallel_loop3A_181 = arith.index_cast %parallel_loop3A_141 : i32 to index
      %parallel_loop3A_182 = arith.constant 80 : index
      %parallel_loop3A_183 = tpu.vector_load %arg9[%parallel_loop3A_181, %parallel_loop3A_182] {strides = array<i32>} : memref<50x256xf32, #tpu.memory_space<vmem>>, vector<16xf32>,
      tpu.vector_store %arg9[%parallel_loop3A_181, %parallel_loop3A_182], %parallel_loop3A_180 {strides = array<i32>} : memref<50x256xf32, #tpu.memory_space<vmem>>, vector<16xf32>,
      %parallel_loop3A_184 = arith.index_cast %parallel_loop3A_141 : i32 to index
      %parallel_loop3A_185 = arith.constant 96 : index
      %parallel_loop3A_186 = tpu.vector_load %arg7[%parallel_loop3A_184, %parallel_loop3A_185] {strides = array<i32>} : memref<50x256xi32, #tpu.memory_space<vmem>>, vector<16xi32>,
      %parallel_loop3A_187 = tpu.vector_load_idx %arg5[%parallel_loop3A_186] : memref<50xf32, #tpu.memory_space<vmem>>[vector<16xi32>], vector<16xf32>,
      %parallel_loop3A_188 = arith.index_cast %parallel_loop3A_141 : i32 to index
      %parallel_loop3A_189 = arith.constant 96 : index
      %parallel_loop3A_190 = tpu.vector_load %arg9[%parallel_loop3A_188, %parallel_loop3A_189] {strides = array<i32>} : memref<50x256xf32, #tpu.memory_space<vmem>>, vector<16xf32>,
      tpu.vector_store %arg9[%parallel_loop3A_188, %parallel_loop3A_189], %parallel_loop3A_187 {strides = array<i32>} : memref<50x256xf32, #tpu.memory_space<vmem>>, vector<16xf32>,
      %parallel_loop3A_191 = arith.index_cast %parallel_loop3A_141 : i32 to index
      %parallel_loop3A_192 = arith.constant 112 : index
      %parallel_loop3A_193 = tpu.vector_load %arg7[%parallel_loop3A_191, %parallel_loop3A_192] {strides = array<i32>} : memref<50x256xi32, #tpu.memory_space<vmem>>, vector<16xi32>,
      %parallel_loop3A_194 = tpu.vector_load_idx %arg5[%parallel_loop3A_193] : memref<50xf32, #tpu.memory_space<vmem>>[vector<16xi32>], vector<16xf32>,
      %parallel_loop3A_195 = arith.index_cast %parallel_loop3A_141 : i32 to index
      %parallel_loop3A_196 = arith.constant 112 : index
      %parallel_loop3A_197 = tpu.vector_load %arg9[%parallel_loop3A_195, %parallel_loop3A_196] {strides = array<i32>} : memref<50x256xf32, #tpu.memory_space<vmem>>, vector<16xf32>,
      tpu.vector_store %arg9[%parallel_loop3A_195, %parallel_loop3A_196], %parallel_loop3A_194 {strides = array<i32>} : memref<50x256xf32, #tpu.memory_space<vmem>>, vector<16xf32>,
      %parallel_loop3A_198 = arith.index_cast %parallel_loop3A_141 : i32 to index
      %parallel_loop3A_199 = arith.constant 128 : index
      %parallel_loop3A_200 = tpu.vector_load %arg7[%parallel_loop3A_198, %parallel_loop3A_199] {strides = array<i32>} : memref<50x256xi32, #tpu.memory_space<vmem>>, vector<16xi32>,
      %parallel_loop3A_201 = tpu.vector_load_idx %arg5[%parallel_loop3A_200] : memref<50xf32, #tpu.memory_space<vmem>>[vector<16xi32>], vector<16xf32>,
      %parallel_loop3A_202 = arith.index_cast %parallel_loop3A_141 : i32 to index
      %parallel_loop3A_203 = arith.constant 128 : index
      %parallel_loop3A_204 = tpu.vector_load %arg9[%parallel_loop3A_202, %parallel_loop3A_203] {strides = array<i32>} : memref<50x256xf32, #tpu.memory_space<vmem>>, vector<16xf32>,
      tpu.vector_store %arg9[%parallel_loop3A_202, %parallel_loop3A_203], %parallel_loop3A_201 {strides = array<i32>} : memref<50x256xf32, #tpu.memory_space<vmem>>, vector<16xf32>,
      %parallel_loop3A_205 = arith.index_cast %parallel_loop3A_141 : i32 to index
      %parallel_loop3A_206 = arith.constant 144 : index
      %parallel_loop3A_207 = tpu.vector_load %arg7[%parallel_loop3A_205, %parallel_loop3A_206] {strides = array<i32>} : memref<50x256xi32, #tpu.memory_space<vmem>>, vector<16xi32>,
      %parallel_loop3A_208 = tpu.vector_load_idx %arg5[%parallel_loop3A_207] : memref<50xf32, #tpu.memory_space<vmem>>[vector<16xi32>], vector<16xf32>,
      %parallel_loop3A_209 = arith.index_cast %parallel_loop3A_141 : i32 to index
      %parallel_loop3A_210 = arith.constant 144 : index
      %parallel_loop3A_211 = tpu.vector_load %arg9[%parallel_loop3A_209, %parallel_loop3A_210] {strides = array<i32>} : memref<50x256xf32, #tpu.memory_space<vmem>>, vector<16xf32>,
      tpu.vector_store %arg9[%parallel_loop3A_209, %parallel_loop3A_210], %parallel_loop3A_208 {strides = array<i32>} : memref<50x256xf32, #tpu.memory_space<vmem>>, vector<16xf32>,
      %parallel_loop3A_212 = arith.index_cast %parallel_loop3A_141 : i32 to index
      %parallel_loop3A_213 = arith.constant 160 : index
      %parallel_loop3A_214 = tpu.vector_load %arg7[%parallel_loop3A_212, %parallel_loop3A_213] {strides = array<i32>} : memref<50x256xi32, #tpu.memory_space<vmem>>, vector<16xi32>,
      %parallel_loop3A_215 = tpu.vector_load_idx %arg5[%parallel_loop3A_214] : memref<50xf32, #tpu.memory_space<vmem>>[vector<16xi32>], vector<16xf32>,
      %parallel_loop3A_216 = arith.index_cast %parallel_loop3A_141 : i32 to index
      %parallel_loop3A_217 = arith.constant 160 : index
      %parallel_loop3A_218 = tpu.vector_load %arg9[%parallel_loop3A_216, %parallel_loop3A_217] {strides = array<i32>} : memref<50x256xf32, #tpu.memory_space<vmem>>, vector<16xf32>,
      tpu.vector_store %arg9[%parallel_loop3A_216, %parallel_loop3A_217], %parallel_loop3A_215 {strides = array<i32>} : memref<50x256xf32, #tpu.memory_space<vmem>>, vector<16xf32>,
      %parallel_loop3A_219 = arith.index_cast %parallel_loop3A_141 : i32 to index
      %parallel_loop3A_220 = arith.constant 176 : index
      %parallel_loop3A_221 = tpu.vector_load %arg7[%parallel_loop3A_219, %parallel_loop3A_220] {strides = array<i32>} : memref<50x256xi32, #tpu.memory_space<vmem>>, vector<16xi32>,
      %parallel_loop3A_222 = tpu.vector_load_idx %arg5[%parallel_loop3A_221] : memref<50xf32, #tpu.memory_space<vmem>>[vector<16xi32>], vector<16xf32>,
      %parallel_loop3A_223 = arith.index_cast %parallel_loop3A_141 : i32 to index
      %parallel_loop3A_224 = arith.constant 176 : index
      %parallel_loop3A_225 = tpu.vector_load %arg9[%parallel_loop3A_223, %parallel_loop3A_224] {strides = array<i32>} : memref<50x256xf32, #tpu.memory_space<vmem>>, vector<16xf32>,
      tpu.vector_store %arg9[%parallel_loop3A_223, %parallel_loop3A_224], %parallel_loop3A_222 {strides = array<i32>} : memref<50x256xf32, #tpu.memory_space<vmem>>, vector<16xf32>,
      %parallel_loop3A_226 = arith.index_cast %parallel_loop3A_141 : i32 to index
      %parallel_loop3A_227 = arith.constant 192 : index
      %parallel_loop3A_228 = tpu.vector_load %arg7[%parallel_loop3A_226, %parallel_loop3A_227] {strides = array<i32>} : memref<50x256xi32, #tpu.memory_space<vmem>>, vector<16xi32>,
      %parallel_loop3A_229 = tpu.vector_load_idx %arg5[%parallel_loop3A_228] : memref<50xf32, #tpu.memory_space<vmem>>[vector<16xi32>], vector<16xf32>,
      %parallel_loop3A_230 = arith.index_cast %parallel_loop3A_141 : i32 to index
      %parallel_loop3A_231 = arith.constant 192 : index
      %parallel_loop3A_232 = tpu.vector_load %arg9[%parallel_loop3A_230, %parallel_loop3A_231] {strides = array<i32>} : memref<50x256xf32, #tpu.memory_space<vmem>>, vector<16xf32>,
      tpu.vector_store %arg9[%parallel_loop3A_230, %parallel_loop3A_231], %parallel_loop3A_229 {strides = array<i32>} : memref<50x256xf32, #tpu.memory_space<vmem>>, vector<16xf32>,
      %parallel_loop3A_233 = arith.index_cast %parallel_loop3A_141 : i32 to index
      %parallel_loop3A_234 = arith.constant 208 : index
      %parallel_loop3A_235 = tpu.vector_load %arg7[%parallel_loop3A_233, %parallel_loop3A_234] {strides = array<i32>} : memref<50x256xi32, #tpu.memory_space<vmem>>, vector<16xi32>,
      %parallel_loop3A_236 = tpu.vector_load_idx %arg5[%parallel_loop3A_235] : memref<50xf32, #tpu.memory_space<vmem>>[vector<16xi32>], vector<16xf32>,
      %parallel_loop3A_237 = arith.index_cast %parallel_loop3A_141 : i32 to index
      %parallel_loop3A_238 = arith.constant 208 : index
      %parallel_loop3A_239 = tpu.vector_load %arg9[%parallel_loop3A_237, %parallel_loop3A_238] {strides = array<i32>} : memref<50x256xf32, #tpu.memory_space<vmem>>, vector<16xf32>,
      tpu.vector_store %arg9[%parallel_loop3A_237, %parallel_loop3A_238], %parallel_loop3A_236 {strides = array<i32>} : memref<50x256xf32, #tpu.memory_space<vmem>>, vector<16xf32>,
      %parallel_loop3A_240 = arith.index_cast %parallel_loop3A_141 : i32 to index
      %parallel_loop3A_241 = arith.constant 224 : index
      %parallel_loop3A_242 = tpu.vector_load %arg7[%parallel_loop3A_240, %parallel_loop3A_241] {strides = array<i32>} : memref<50x256xi32, #tpu.memory_space<vmem>>, vector<16xi32>,
      %parallel_loop3A_243 = tpu.vector_load_idx %arg5[%parallel_loop3A_242] : memref<50xf32, #tpu.memory_space<vmem>>[vector<16xi32>], vector<16xf32>,
      %parallel_loop3A_244 = arith.index_cast %parallel_loop3A_141 : i32 to index
      %parallel_loop3A_245 = arith.constant 224 : index
      %parallel_loop3A_246 = tpu.vector_load %arg9[%parallel_loop3A_244, %parallel_loop3A_245] {strides = array<i32>} : memref<50x256xf32, #tpu.memory_space<vmem>>, vector<16xf32>,
      tpu.vector_store %arg9[%parallel_loop3A_244, %parallel_loop3A_245], %parallel_loop3A_243 {strides = array<i32>} : memref<50x256xf32, #tpu.memory_space<vmem>>, vector<16xf32>,
      %parallel_loop3A_247 = arith.index_cast %parallel_loop3A_141 : i32 to index
      %parallel_loop3A_248 = arith.constant 240 : index
      %parallel_loop3A_249 = tpu.vector_load %arg7[%parallel_loop3A_247, %parallel_loop3A_248] {strides = array<i32>} : memref<50x256xi32, #tpu.memory_space<vmem>>, vector<16xi32>,
      %parallel_loop3A_250 = tpu.vector_load_idx %arg5[%parallel_loop3A_249] : memref<50xf32, #tpu.memory_space<vmem>>[vector<16xi32>], vector<16xf32>,
      %parallel_loop3A_251 = arith.index_cast %parallel_loop3A_141 : i32 to index
      %parallel_loop3A_252 = arith.constant 240 : index
      %parallel_loop3A_253 = tpu.vector_load %arg9[%parallel_loop3A_251, %parallel_loop3A_252] {strides = array<i32>} : memref<50x256xf32, #tpu.memory_space<vmem>>, vector<16xf32>,
      tpu.vector_store %arg9[%parallel_loop3A_251, %parallel_loop3A_252], %parallel_loop3A_250 {strides = array<i32>} : memref<50x256xf32, #tpu.memory_space<vmem>>, vector<16xf32>,
    } {sc.loop_unroll_factor = 2 : i64, sc.parallel_access}
    %add3A_74 = arith.constant 128 : i32
    %add3A_75 = arith.addi %mul3A_2, %add3A_74 : i32
    %dma_start3A_76 = arith.constant 0 : i32
    %dma_start3A_77 = arith.constant 0 : i32
    %dma_start3A_78 = tpu.memref_slice %arg9[%dma_start3A_76, %dma_start3A_77] : memref<50x256xf32, #tpu.memory_space<vmem>> -> memref<50x256xf32, #tpu.memory_space<vmem>>
    %dma_start3A_79 = arith.constant 0 : i32
    %dma_start3A_80 = tpu.memref_slice %arg4[%dma_start3A_79, %add3A_75] : memref<50x16384xf32, #tpu.memory_space<hbm>> -> memref<50x256xf32, #tpu.memory_space<hbm>>
    %dma_start3A_81 = arith.constant 0 : i32
    %dma_start3A_82 = tpu.memref_slice %arg4[%dma_start3A_81, %add3A_75] : memref<50x16384xf32, #tpu.memory_space<hbm>> -> memref<50x256xf32, #tpu.memory_space<hbm>>
    %dma_start3A_83 = arith.constant 0 : i32
    %dma_start3A_84 = arith.constant 0 : i32
    %dma_start3A_85 = tpu.memref_slice %arg9[%dma_start3A_83, %dma_start3A_84] : memref<50x256xf32, #tpu.memory_space<vmem>> -> memref<50x256xf32, #tpu.memory_space<vmem>>
    tpu.enqueue_dma source(%dma_start3A_85 : memref<50x256xf32, #tpu.memory_space<vmem>>) target(%dma_start3A_82 : memref<50x256xf32, #tpu.memory_space<hbm>>) target_semaphore(%arg13 : memref<!tpu.dma_semaphore, #tpu.memory_space<semaphore_mem>>)
    %dma_wait3A_86 = arith.constant 0 : i32
    %dma_wait3A_87 = arith.constant 0 : i32
    %dma_wait3A_88 = tpu.memref_slice %arg6[%dma_wait3A_86, %dma_wait3A_87] : memref<50x256xi32, #tpu.memory_space<vmem>> -> memref<50x128xi32, #tpu.memory_space<vmem>>
    %dma_wait3A_89 = arith.constant 0 : i32
    %dma_wait3A_90 = tpu.memref_slice %arg3[%dma_wait3A_89, %add3A_38] : memref<50x16384xi32, #tpu.memory_space<hbm>> -> memref<50x128xi32, #tpu.memory_space<hbm>>
    %dma_wait3A_91 = arith.constant 0 : i32
    %dma_wait3A_92 = arith.constant 0 : i32
    %dma_wait3A_93 = tpu.memref_slice %arg6[%dma_wait3A_91, %dma_wait3A_92] : memref<50x256xi32, #tpu.memory_space<vmem>> -> memref<50x128xi32, #tpu.memory_space<vmem>>
    %dma_wait3A_94 = arith.constant 0 : i32
    %dma_wait3A_95 = tpu.memref_slice %arg3[%dma_wait3A_94, %add3A_38] : memref<50x16384xi32, #tpu.memory_space<hbm>> -> memref<50x128xi32, #tpu.memory_space<hbm>>
    tpu.wait_dma2 semaphore(%arg10 : memref<!tpu.dma_semaphore, #tpu.memory_space<semaphore_mem>>) src(%dma_wait3A_95 : memref<50x128xi32, #tpu.memory_space<hbm>>) dst(%dma_wait3A_93 : memref<50x128xi32, #tpu.memory_space<vmem>>)
    %dma_wait3A_96 = arith.constant 0 : i32
    %dma_wait3A_97 = arith.constant 0 : i32
    %dma_wait3A_98 = tpu.memref_slice %arg8[%dma_wait3A_96, %dma_wait3A_97] : memref<50x256xf32, #tpu.memory_space<vmem>> -> memref<50x128xf32, #tpu.memory_space<vmem>>
    %dma_wait3A_99 = arith.constant 0 : i32
    %dma_wait3A_100 = tpu.memref_slice %arg4[%dma_wait3A_99, %add3A_50] : memref<50x16384xf32, #tpu.memory_space<hbm>> -> memref<50x128xf32, #tpu.memory_space<hbm>>
    %dma_wait3A_101 = arith.constant 0 : i32
    %dma_wait3A_102 = tpu.memref_slice %arg4[%dma_wait3A_101, %add3A_50] : memref<50x16384xf32, #tpu.memory_space<hbm>> -> memref<50x128xf32, #tpu.memory_space<hbm>>
    %dma_wait3A_103 = arith.constant 0 : i32
    %dma_wait3A_104 = arith.constant 0 : i32
    %dma_wait3A_105 = tpu.memref_slice %arg8[%dma_wait3A_103, %dma_wait3A_104] : memref<50x256xf32, #tpu.memory_space<vmem>> -> memref<50x128xf32, #tpu.memory_space<vmem>>
    tpu.wait_dma2 semaphore(%arg12 : memref<!tpu.dma_semaphore, #tpu.memory_space<semaphore_mem>>) src(%dma_wait3A_105 : memref<50x128xf32, #tpu.memory_space<vmem>>) dst(%dma_wait3A_102 : memref<50x128xf32, #tpu.memory_space<hbm>>)
    %parallel_loop3A_106 = arith.constant 0 : i32
    %parallel_loop3A_107 = arith.constant 50 : i32
    %parallel_loop3A_108 = arith.constant 1 : i32
    scf.for %parallel_loop3A_141 = %parallel_loop3A_106 to %parallel_loop3A_107 step %parallel_loop3A_108  : i32 {
      %parallel_loop3A_142 = arith.index_cast %parallel_loop3A_141 : i32 to index
      %parallel_loop3A_143 = arith.constant 0 : index
      %parallel_loop3A_144 = tpu.vector_load %arg6[%parallel_loop3A_142, %parallel_loop3A_143] {strides = array<i32>} : memref<50x256xi32, #tpu.memory_space<vmem>>, vector<16xi32>,
      %parallel_loop3A_145 = tpu.vector_load_idx %arg5[%parallel_loop3A_144] : memref<50xf32, #tpu.memory_space<vmem>>[vector<16xi32>], vector<16xf32>,
      %parallel_loop3A_146 = arith.index_cast %parallel_loop3A_141 : i32 to index
      %parallel_loop3A_147 = arith.constant 0 : index
      %parallel_loop3A_148 = tpu.vector_load %arg8[%parallel_loop3A_146, %parallel_loop3A_147] {strides = array<i32>} : memref<50x256xf32, #tpu.memory_space<vmem>>, vector<16xf32>,
      tpu.vector_store %arg8[%parallel_loop3A_146, %parallel_loop3A_147], %parallel_loop3A_145 {strides = array<i32>} : memref<50x256xf32, #tpu.memory_space<vmem>>, vector<16xf32>,
      %parallel_loop3A_149 = arith.index_cast %parallel_loop3A_141 : i32 to index
      %parallel_loop3A_150 = arith.constant 16 : index
      %parallel_loop3A_151 = tpu.vector_load %arg6[%parallel_loop3A_149, %parallel_loop3A_150] {strides = array<i32>} : memref<50x256xi32, #tpu.memory_space<vmem>>, vector<16xi32>,
      %parallel_loop3A_152 = tpu.vector_load_idx %arg5[%parallel_loop3A_151] : memref<50xf32, #tpu.memory_space<vmem>>[vector<16xi32>], vector<16xf32>,
      %parallel_loop3A_153 = arith.index_cast %parallel_loop3A_141 : i32 to index
      %parallel_loop3A_154 = arith.constant 16 : index
      %parallel_loop3A_155 = tpu.vector_load %arg8[%parallel_loop3A_153, %parallel_loop3A_154] {strides = array<i32>} : memref<50x256xf32, #tpu.memory_space<vmem>>, vector<16xf32>,
      tpu.vector_store %arg8[%parallel_loop3A_153, %parallel_loop3A_154], %parallel_loop3A_152 {strides = array<i32>} : memref<50x256xf32, #tpu.memory_space<vmem>>, vector<16xf32>,
      %parallel_loop3A_156 = arith.index_cast %parallel_loop3A_141 : i32 to index
      %parallel_loop3A_157 = arith.constant 32 : index
      %parallel_loop3A_158 = tpu.vector_load %arg6[%parallel_loop3A_156, %parallel_loop3A_157] {strides = array<i32>} : memref<50x256xi32, #tpu.memory_space<vmem>>, vector<16xi32>,
      %parallel_loop3A_159 = tpu.vector_load_idx %arg5[%parallel_loop3A_158] : memref<50xf32, #tpu.memory_space<vmem>>[vector<16xi32>], vector<16xf32>,
      %parallel_loop3A_160 = arith.index_cast %parallel_loop3A_141 : i32 to index
      %parallel_loop3A_161 = arith.constant 32 : index
      %parallel_loop3A_162 = tpu.vector_load %arg8[%parallel_loop3A_160, %parallel_loop3A_161] {strides = array<i32>} : memref<50x256xf32, #tpu.memory_space<vmem>>, vector<16xf32>,
      tpu.vector_store %arg8[%parallel_loop3A_160, %parallel_loop3A_161], %parallel_loop3A_159 {strides = array<i32>} : memref<50x256xf32, #tpu.memory_space<vmem>>, vector<16xf32>,
      %parallel_loop3A_163 = arith.index_cast %parallel_loop3A_141 : i32 to index
      %parallel_loop3A_164 = arith.constant 48 : index
      %parallel_loop3A_165 = tpu.vector_load %arg6[%parallel_loop3A_163, %parallel_loop3A_164] {strides = array<i32>} : memref<50x256xi32, #tpu.memory_space<vmem>>, vector<16xi32>,
      %parallel_loop3A_166 = tpu.vector_load_idx %arg5[%parallel_loop3A_165] : memref<50xf32, #tpu.memory_space<vmem>>[vector<16xi32>], vector<16xf32>,
      %parallel_loop3A_167 = arith.index_cast %parallel_loop3A_141 : i32 to index
      %parallel_loop3A_168 = arith.constant 48 : index
      %parallel_loop3A_169 = tpu.vector_load %arg8[%parallel_loop3A_167, %parallel_loop3A_168] {strides = array<i32>} : memref<50x256xf32, #tpu.memory_space<vmem>>, vector<16xf32>,
      tpu.vector_store %arg8[%parallel_loop3A_167, %parallel_loop3A_168], %parallel_loop3A_166 {strides = array<i32>} : memref<50x256xf32, #tpu.memory_space<vmem>>, vector<16xf32>,
      %parallel_loop3A_170 = arith.index_cast %parallel_loop3A_141 : i32 to index
      %parallel_loop3A_171 = arith.constant 64 : index
      %parallel_loop3A_172 = tpu.vector_load %arg6[%parallel_loop3A_170, %parallel_loop3A_171] {strides = array<i32>} : memref<50x256xi32, #tpu.memory_space<vmem>>, vector<16xi32>,
      %parallel_loop3A_173 = tpu.vector_load_idx %arg5[%parallel_loop3A_172] : memref<50xf32, #tpu.memory_space<vmem>>[vector<16xi32>], vector<16xf32>,
      %parallel_loop3A_174 = arith.index_cast %parallel_loop3A_141 : i32 to index
      %parallel_loop3A_175 = arith.constant 64 : index
      %parallel_loop3A_176 = tpu.vector_load %arg8[%parallel_loop3A_174, %parallel_loop3A_175] {strides = array<i32>} : memref<50x256xf32, #tpu.memory_space<vmem>>, vector<16xf32>,
      tpu.vector_store %arg8[%parallel_loop3A_174, %parallel_loop3A_175], %parallel_loop3A_173 {strides = array<i32>} : memref<50x256xf32, #tpu.memory_space<vmem>>, vector<16xf32>,
      %parallel_loop3A_177 = arith.index_cast %parallel_loop3A_141 : i32 to index
      %parallel_loop3A_178 = arith.constant 80 : index
      %parallel_loop3A_179 = tpu.vector_load %arg6[%parallel_loop3A_177, %parallel_loop3A_178] {strides = array<i32>} : memref<50x256xi32, #tpu.memory_space<vmem>>, vector<16xi32>,
      %parallel_loop3A_180 = tpu.vector_load_idx %arg5[%parallel_loop3A_179] : memref<50xf32, #tpu.memory_space<vmem>>[vector<16xi32>], vector<16xf32>,
      %parallel_loop3A_181 = arith.index_cast %parallel_loop3A_141 : i32 to index
      %parallel_loop3A_182 = arith.constant 80 : index
      %parallel_loop3A_183 = tpu.vector_load %arg8[%parallel_loop3A_181, %parallel_loop3A_182] {strides = array<i32>} : memref<50x256xf32, #tpu.memory_space<vmem>>, vector<16xf32>,
      tpu.vector_store %arg8[%parallel_loop3A_181, %parallel_loop3A_182], %parallel_loop3A_180 {strides = array<i32>} : memref<50x256xf32, #tpu.memory_space<vmem>>, vector<16xf32>,
      %parallel_loop3A_184 = arith.index_cast %parallel_loop3A_141 : i32 to index
      %parallel_loop3A_185 = arith.constant 96 : index
      %parallel_loop3A_186 = tpu.vector_load %arg6[%parallel_loop3A_184, %parallel_loop3A_185] {strides = array<i32>} : memref<50x256xi32, #tpu.memory_space<vmem>>, vector<16xi32>,
      %parallel_loop3A_187 = tpu.vector_load_idx %arg5[%parallel_loop3A_186] : memref<50xf32, #tpu.memory_space<vmem>>[vector<16xi32>], vector<16xf32>,
      %parallel_loop3A_188 = arith.index_cast %parallel_loop3A_141 : i32 to index
      %parallel_loop3A_189 = arith.constant 96 : index
      %parallel_loop3A_190 = tpu.vector_load %arg8[%parallel_loop3A_188, %parallel_loop3A_189] {strides = array<i32>} : memref<50x256xf32, #tpu.memory_space<vmem>>, vector<16xf32>,
      tpu.vector_store %arg8[%parallel_loop3A_188, %parallel_loop3A_189], %parallel_loop3A_187 {strides = array<i32>} : memref<50x256xf32, #tpu.memory_space<vmem>>, vector<16xf32>,
      %parallel_loop3A_191 = arith.index_cast %parallel_loop3A_141 : i32 to index
      %parallel_loop3A_192 = arith.constant 112 : index
      %parallel_loop3A_193 = tpu.vector_load %arg6[%parallel_loop3A_191, %parallel_loop3A_192] {strides = array<i32>} : memref<50x256xi32, #tpu.memory_space<vmem>>, vector<16xi32>,
      %parallel_loop3A_194 = tpu.vector_load_idx %arg5[%parallel_loop3A_193] : memref<50xf32, #tpu.memory_space<vmem>>[vector<16xi32>], vector<16xf32>,
      %parallel_loop3A_195 = arith.index_cast %parallel_loop3A_141 : i32 to index
      %parallel_loop3A_196 = arith.constant 112 : index
      %parallel_loop3A_197 = tpu.vector_load %arg8[%parallel_loop3A_195, %parallel_loop3A_196] {strides = array<i32>} : memref<50x256xf32, #tpu.memory_space<vmem>>, vector<16xf32>,
      tpu.vector_store %arg8[%parallel_loop3A_195, %parallel_loop3A_196], %parallel_loop3A_194 {strides = array<i32>} : memref<50x256xf32, #tpu.memory_space<vmem>>, vector<16xf32>,
    } {sc.loop_unroll_factor = 2 : i64, sc.parallel_access}
    %add3A_109 = arith.constant 384 : i32
    %add3A_110 = arith.addi %mul3A_2, %add3A_109 : i32
    %dma_start3A_111 = arith.constant 0 : i32
    %dma_start3A_112 = arith.constant 0 : i32
    %dma_start3A_113 = tpu.memref_slice %arg8[%dma_start3A_111, %dma_start3A_112] : memref<50x256xf32, #tpu.memory_space<vmem>> -> memref<50x128xf32, #tpu.memory_space<vmem>>
    %dma_start3A_114 = arith.constant 0 : i32
    %dma_start3A_115 = tpu.memref_slice %arg4[%dma_start3A_114, %add3A_110] : memref<50x16384xf32, #tpu.memory_space<hbm>> -> memref<50x128xf32, #tpu.memory_space<hbm>>
    %dma_start3A_116 = arith.constant 0 : i32
    %dma_start3A_117 = tpu.memref_slice %arg4[%dma_start3A_116, %add3A_110] : memref<50x16384xf32, #tpu.memory_space<hbm>> -> memref<50x128xf32, #tpu.memory_space<hbm>>
    %dma_start3A_118 = arith.constant 0 : i32
    %dma_start3A_119 = arith.constant 0 : i32
    %dma_start3A_120 = tpu.memref_slice %arg8[%dma_start3A_118, %dma_start3A_119] : memref<50x256xf32, #tpu.memory_space<vmem>> -> memref<50x128xf32, #tpu.memory_space<vmem>>
    tpu.enqueue_dma source(%dma_start3A_120 : memref<50x128xf32, #tpu.memory_space<vmem>>) target(%dma_start3A_117 : memref<50x128xf32, #tpu.memory_space<hbm>>) target_semaphore(%arg12 : memref<!tpu.dma_semaphore, #tpu.memory_space<semaphore_mem>>)
    %dma_wait3A_121 = arith.constant 0 : i32
    %dma_wait3A_122 = arith.constant 0 : i32
    %dma_wait3A_123 = tpu.memref_slice %arg8[%dma_wait3A_121, %dma_wait3A_122] : memref<50x256xf32, #tpu.memory_space<vmem>> -> memref<50x128xf32, #tpu.memory_space<vmem>>
    %dma_wait3A_124 = arith.constant 0 : i32
    %dma_wait3A_125 = tpu.memref_slice %arg4[%dma_wait3A_124, %add3A_110] : memref<50x16384xf32, #tpu.memory_space<hbm>> -> memref<50x128xf32, #tpu.memory_space<hbm>>
    %dma_wait3A_126 = arith.constant 0 : i32
    %dma_wait3A_127 = tpu.memref_slice %arg4[%dma_wait3A_126, %add3A_110] : memref<50x16384xf32, #tpu.memory_space<hbm>> -> memref<50x128xf32, #tpu.memory_space<hbm>>
    %dma_wait3A_128 = arith.constant 0 : i32
    %dma_wait3A_129 = arith.constant 0 : i32
    %dma_wait3A_130 = tpu.memref_slice %arg8[%dma_wait3A_128, %dma_wait3A_129] : memref<50x256xf32, #tpu.memory_space<vmem>> -> memref<50x128xf32, #tpu.memory_space<vmem>>
    tpu.wait_dma2 semaphore(%arg12 : memref<!tpu.dma_semaphore, #tpu.memory_space<semaphore_mem>>) src(%dma_wait3A_130 : memref<50x128xf32, #tpu.memory_space<vmem>>) dst(%dma_wait3A_127 : memref<50x128xf32, #tpu.memory_space<hbm>>)
    %dma_wait3A_131 = arith.constant 0 : i32
    %dma_wait3A_132 = arith.constant 0 : i32
    %dma_wait3A_133 = tpu.memref_slice %arg9[%dma_wait3A_131, %dma_wait3A_132] : memref<50x256xf32, #tpu.memory_space<vmem>> -> memref<50x256xf32, #tpu.memory_space<vmem>>
    %dma_wait3A_134 = arith.constant 0 : i32
    %dma_wait3A_135 = tpu.memref_slice %arg4[%dma_wait3A_134, %add3A_75] : memref<50x16384xf32, #tpu.memory_space<hbm>> -> memref<50x256xf32, #tpu.memory_space<hbm>>
    %dma_wait3A_136 = arith.constant 0 : i32
    %dma_wait3A_137 = tpu.memref_slice %arg4[%dma_wait3A_136, %add3A_75] : memref<50x16384xf32, #tpu.memory_space<hbm>> -> memref<50x256xf32, #tpu.memory_space<hbm>>
    %dma_wait3A_138 = arith.constant 0 : i32
    %dma_wait3A_139 = arith.constant 0 : i32
    %dma_wait3A_140 = tpu.memref_slice %arg9[%dma_wait3A_138, %dma_wait3A_139] : memref<50x256xf32, #tpu.memory_space<vmem>> -> memref<50x256xf32, #tpu.memory_space<vmem>>
    tpu.wait_dma2 semaphore(%arg13 : memref<!tpu.dma_semaphore, #tpu.memory_space<semaphore_mem>>) src(%dma_wait3A_140 : memref<50x256xf32, #tpu.memory_space<vmem>>) dst(%dma_wait3A_137 : memref<50x256xf32, #tpu.memory_space<hbm>>)
    return
  }
}

</mosaic_0001>

<sc_bundles>
// kernel: kernel.3.cloned.1.call-start
scs
__scs_entry_jumppad:
0x0: {  	(pc) =	sbr.rel $0x88, $3  }
0x1: {  	(tag) =	ssettag $0x0;
	lr =	simm.s32 $0x1  }
0x2: {  	[smem:$0x3F9F] =	sst lr;
	_ =	strace $0xD0000000  }
0x3: {  	_ = 	snop  }
0x4: {  	_ = 	snop  }
0x5: {  	_ = 	snop  }
0x6: {  	_ = 	snop  }
0x7: {  	_ = 	snop  }
__scs_overlays_trampoline_lowered:
0x8: {  	[smem:$0x3FAE] =	sst s0  }
0x9: {  	[smem:$0x3FAF] =	sst s1  }
0xa: {  	[smem:$0x3FB0] =	sst s2  }
0xb: {  	[smem:$0x3FB1] =	sst s3  }
0xc: {  	[smem:$0x3FB2] =	sst s4  }
0xd: {  	[smem:$0x3FB3] =	sst s5  }
0xe: {  	[smem:$0x3FB4] =	sst s6  }
0xf: {  	[smem:$0x3FB5] =	sst s7  }
0x10: {  	[smem:$0x3FB6] =	sst s8  }
0x11: {  	[smem:$0x3FB7] =	sst s9;
	s0 =	simm.s32 @!p0 $0x0  }
0x12: {  	s1 =	sld [smem:$0x3F9D];
	s0 =	simm.s32 @p0 $0x1  }
0x13: {  	[smem:$0x3FB8] =	sst s0;
	s0 =	simm.s32 @!p1 $0x0  }
0x14: {  	s2 =	sld [smem:$0x3F9C];
	s0 =	simm.s32 @p1 $0x1  }
0x15: {  	[smem:$0x3FB9] =	sst s0;
	s0 =	simm.s32 @!p2 $0x0  }
0x16: {  	s3 =	sld [smem:$0x3FDB];
	s0 =	simm.s32 @p2 $0x1  }
0x17: {  	s4 =	simm.s32 $0x1BF5;
	[smem:$0x3FBB] =	sst s0  }
0x18: {  	s0 =	sld [smem:$0x3F9E];
	_ =	swait.ge [sflag:s4], $0x0  }
0x19: {  	s7 =	sld [smem:$0x3F9F]  }
0x1a: {  	s8 =	sadd.s32 $0xFFFFE003, lr  }
0x1b: {  	s9 =	sadd.s32 $0xFFFFFEF7, lr;
	s5 =	simm.s32 $0xFFFFFFFF;
	p2 =	slt.u32 s8, $0xFFFFF086  }
0x1c: {  	p1 =	slt.u32 s9, $0xF7A;
	s5 =	simm.s32 @!p2 $0x0  }
0x1d: {  	s5 =	simm.s32 @p1 $0x1;
	p0 =	seq.s32 s7, s2  }
0x1e: {  	s7 =	smul.u32 @!p0 $0xF7A, s2;
	p2 =	seq.s32 @!p0 s5, $0x0  }
0x1f: {  	s9 =	smul.u32 $0xF7A, s1;
	s8 =	simm.s32 @!p0 $0x1BF5;
	p2 =	por !p2, p0  }
0x20: {  	[sflag:s8] =	ssyncset.s32 @!p0 $0xFFFFF086;
	s6 =	sadd.s32 @!p0 s3, s7;
	s7 =	simm.s32 @!p0 $0x108  }
0x21: {  	s3 =	sadd.s32 s3, s9;
	s6 =	sadd.s32 @!p0 $0x88, s6;
	s7 =	simm.s32 @p2 $0x1082  }
0x22: {  	[simem:s7], [sflag:s8] =	dma.local @!p0 [hbm:s6], $0xF7A  }
0x23: {  	s9 =	sor.u32 $0xD0000000, s2;
	s6 =	simm.s32 $0x108;
	_ =	swait.ge @!p0 [sflag:s8], $0x0  }
0x24: {  	s3 =	sadd.s32 $0x88, s3;
	s6 =	simm.s32 @!p1 $0x1082;
	[sflag:s4] =	ssyncset.s32 $0xFFFFF086  }
0x25: {  	[simem:s6], [sflag:s4] =	dma.local [hbm:s3], $0xF7A  }
0x26: {  	[smem:$0x3F9F] =	sst s1;
	(tag) =	ssettag s2;
	_ =	strace s9  }
0x27: {  	s1 =	sld [smem:$0x3FAF]  }
0x28: {  	s2 =	sld [smem:$0x3FB0]  }
0x29: {  	s4 =	sld [smem:$0x3FB2]  }
0x2a: {  	p0 =	seq.s32 s5, $0x0;
	s5 =	sld [smem:$0x3FB3]  }
0x2b: {  	s6 =	sld [smem:$0x3FB4]  }
0x2c: {  	s7 =	sld [smem:$0x3FB5]  }
0x2d: {  	s3 =	simm.s32 $0x108;
	s8 =	sld [smem:$0x3FB6]  }
0x2e: {  	s3 =	simm.s32 @!p0 $0x1082;
	s9 =	sld [smem:$0x3FB7]  }
0x2f: {  	lr =	sadd.s32 s0, s3;
	s0 =	sld [smem:$0x3FAE]  }
0x30: {  	s3 =	sld [smem:$0x3FB1]  }
0x31: {  	[smem:$0x3FBA] =	sst s10  }
0x32: {  	s10 =	sld [smem:$0x3FB8];
	_ =	sdelay $0x3  }
0x33: {  	p0 =	seq.s32 s10, $0x1;
	s10 =	sld [smem:$0x3FBA];
	_ =	sdelay $0x3  }
0x34: {  	[smem:$0x3FBA] =	sst s10  }
0x35: {  	s10 =	sld [smem:$0x3FB9];
	_ =	sdelay $0x3  }
0x36: {  	p1 =	seq.s32 s10, $0x1;
	s10 =	sld [smem:$0x3FBA];
	_ =	sdelay $0x3  }
0x37: {  	[smem:$0x3FBA] =	sst s10  }
0x38: {  	s10 =	sld [smem:$0x3FBB]  }
0x39: {  	_ = 	snop;
	(pc) =	sbr.ind lr, $3  }
0x3a: {  	_ = 	snop  }
0x3b: {  	_ = 	snop  }
0x3c: {  	p2 =	seq.s32 s10, $0x1;
	s10 =	sld [smem:$0x3FBA]  }
0x3d: {  	_ =	shalt  }
0x3e: {  	_ =	shalt  }
0x3f: {  	_ =	shalt  }
0x40: {  	_ =	shalt  }
0x41: {  	_ =	shalt  }
0x42: {  	_ =	shalt  }
0x43: {  	_ =	shalt  }
0x44: {  	_ =	shalt  }
0x45: {  	_ =	shalt  }
0x46: {  	_ =	shalt  }
0x47: {  	_ =	shalt  }
0x48: {  	_ =	shalt  }
0x49: {  	_ =	shalt  }
0x4a: {  	_ =	shalt  }
0x4b: {  	_ =	shalt  }
0x4c: {  	_ =	shalt  }
0x4d: {  	_ =	shalt  }
0x4e: {  	_ =	shalt  }
0x4f: {  	_ =	shalt  }
0x50: {  	_ =	shalt  }
0x51: {  	_ =	shalt  }
0x52: {  	_ =	shalt  }
0x53: {  	_ =	shalt  }
0x54: {  	_ =	shalt  }
0x55: {  	_ =	shalt  }
0x56: {  	_ =	shalt  }
0x57: {  	_ =	shalt  }
0x58: {  	_ =	shalt  }
0x59: {  	_ =	shalt  }
0x5a: {  	_ =	shalt  }
0x5b: {  	_ =	shalt  }
0x5c: {  	_ =	shalt  }
0x5d: {  	_ =	shalt  }
0x5e: {  	_ =	shalt  }
0x5f: {  	_ =	shalt  }
0x60: {  	_ =	shalt  }
0x61: {  	_ =	shalt  }
0x62: {  	_ =	shalt  }
0x63: {  	_ =	shalt  }
0x64: {  	_ =	shalt  }
0x65: {  	_ =	shalt  }
0x66: {  	_ =	shalt  }
0x67: {  	_ =	shalt  }
0x68: {  	_ =	shalt  }
0x69: {  	_ =	shalt  }
0x6a: {  	_ =	shalt  }
0x6b: {  	_ =	shalt  }
0x6c: {  	_ =	shalt  }
0x6d: {  	_ =	shalt  }
0x6e: {  	_ =	shalt  }
0x6f: {  	_ =	shalt  }
0x70: {  	_ =	shalt  }
0x71: {  	_ =	shalt  }
0x72: {  	_ =	shalt  }
0x73: {  	_ =	shalt  }
0x74: {  	_ =	shalt  }
0x75: {  	_ =	shalt  }
0x76: {  	_ =	shalt  }
0x77: {  	_ =	shalt  }
0x78: {  	_ =	shalt  }
0x79: {  	_ =	shalt  }
0x7a: {  	_ =	shalt  }
0x7b: {  	_ =	shalt  }
0x7c: {  	_ =	shalt  }
0x7d: {  	_ =	shalt  }
0x7e: {  	_ =	shalt  }
0x7f: {  	_ =	shalt  }
0x80: {  	_ =	shalt  }
0x81: {  	_ =	shalt  }
0x82: {  	_ =	shalt  }
0x83: {  	_ =	shalt  }
0x84: {  	_ =	shalt  }
0x85: {  	_ =	shalt  }
0x86: {  	_ =	shalt  }
0x87: {  	_ =	shalt  }
.Lfunc_end0:
.L_simem_size_0:
called_computation_lowered:
.L_overlay_start_0:
0x88: {  	s2 =	sld [smem:$0x3FD9]  }
0x89: {  	s3 =	sld [smem:$0x3FFE];
	_ =	sdelay $0x1  }
0x8a: {  	s1 =	srdreg.scid  }
0x8b: {  	s0 =	sand.u32 $0x1, s1  }
0x8c: {  	s18 =	sshll.u32 s0, $0xA;
	s2 =	sadd.s32 s3, s2  }
0x8d: {  	s2 =	sadd.s32 s2, s18  }
0x8e: {  	[smem:$0x3FC6] =	sst s2  }
0x8f: {  	_ = 	snop  }
0x90: {  	s2 =	sld [smem:$0x3FC9]  }
0x91: {  	s19 =	sld [smem:$0x3FC8]  }
0x92: {  	s4 =	sld [smem:$0x3FD0];
	(tm) =	ssettm $0x1  }
0x93: {  	s5 =	sld [smem:$0x3FFB];
	_ =	sdelay $0x3  }
0x94: {  	_ =	strace s5  }
0x95: {  	s5 =	sld [smem:$0x3FFC];
	_ =	sdelay $0x3  }
0x96: {  	_ =	strace s5  }
0x97: {  	s5 =	sld [smem:$0x3FFD];
	_ =	sdelay $0x3  }
0x98: {  	_ =	strace s5  }
0x99: {  	_ =	strace $0x8FFFFFFF  }
0x9a: {  	s20 =	sld [smem:$0x3FDB];
	_ =	sdelay $0x1  }
0x9b: {  	s6 =	simm.s32 $_scs_section_size  }
0x9c: {  	s7 =	simm.s32 $_size__tile_overlayer_lowered;
	s8 =	simm.s32 $_tile_overlayer_lowered  }
0x9d: {  	s23 =	simm.s32 $0x1BFF;
	s22 =	sshll.u32 s8, $0x1;
	s5 =	sadd.s32 s6, s20  }
0x9e: {  	s9 =	simm.s32 $0x0;
	s21 =	sshll.u32 s7, $0x1;
	s7 =	sadd.s32 s22, s5  }
0x9f: {  	[timem:s9], [sflag:s23] =	dma.local [hbm:s7], s21  }
0xa0: {  	_ =	swait.ge [sflag:s23], s21  }
0xa1: {  	s6 =	ssub.s32 $0x0, s21;
	[sflag:s23] =	ssyncset.done $0x0  }
0xa2: {  	[sflag:s23] =	ssyncadd.s32 s6;
	_ =	sdelay $0x1  }
0xa3: {  	s24 =	simm.s32 $0x1B8B  }
0xa4: {  	_ =	swait.ge [sflag:s24], $0x1  }
0xa5: {  	[sflag:s24] =	ssyncset.done $0x0  }
0xa6: {  	s25 =	simm.s32 $0x1B8E;
	[sflag:s24] =	ssyncadd.s32 $0xFFFFFFFF  }
0xa7: {  	s26 =	simm.s32 $execute0_lowered;
	[smem:$0x3FD2] =	sst s25  }
0xa8: {  	s6 =	sshll.u32 s26, $0x1;
	_ =	strace $0x80000046;
	[dreg:$0x1] =	wrdreg $0xFFFFFFFF  }
0xa9: {  	s28 =	simm.s32 $_size_execute0_lowered;
	s5 =	sadd.s32 s5, s6;
	[dreg:$0x0] =	wrdreg $0x0  }
0xaa: {  	s6 =	sshll.u32 s28, $0x1;
	[dreg:$0x2] =	wrdreg s5  }
0xab: {  	[dreg:$0x3] =	wrdreg s6  }
0xac: {  	[dreg:$0x4] =	wrdreg $0xC0  }
0xad: {  	_ =	task [dreg:s9], $0x5FFFF  }
0xae: {  	[dreg:$0x1] =	wrdreg $0xFFFFFFFF  }
0xaf: {  	[dreg:$0x0] =	wrdreg $0x60  }
0xb0: {  	[dreg:$0x2] =	wrdreg s2  }
0xb1: {  	[dreg:$0x3] =	wrdreg s19  }
0xb2: {  	[dreg:$0x4] =	wrdreg s4  }
0xb3: {  	[dreg:$0x5] =	wrdreg $0x9  }
0xb4: {  	_ =	task.clear_ibuf [dreg:s9], $0x6FFFF;
	_ =	strace $0x90000046  }
0xb5: {  	s29 =	simm.s32 $0x9;
	_ =	strace $0x80000048  }
0xb6: {  	_ =	swait.ge [sflag:s29], $0x1  }
0xb7: {  	[sflag:s29] =	ssyncadd.s32 $0xFFFFFFFF  }
0xb8: {  	_ =	strace $0x90000048  }
0xb9: {  	_ =	sfence  }
0xba: {  	s30 =	sld [smem:$0x0];
	_ =	sdelay $0x2  }
0xbb: {  	s31 =	sshll.u32 s1, $0xD;
	s1 =	sshrl.u32 s1, $0x2  }
0xbc: {  	s3 =	sand.u32 $0x4000, s31;
	s1 =	sadd.s32 s1, s30  }
0xbd: {  	s0 =	sor.u32 s3, s0;
	s1 =	sshll.u32 s1, $0x11  }
0xbe: {  	s0 =	sor.u32 s1, s0  }
0xbf: {  	s0 =	sadd.s32 $0x8F2B, s0  }
0xc0: {  	[sflag:s0] =	ssyncadd.remote.s32 $0x1  }
0xc1: {  	_ =	sfence.sel $0xFFFF  }
0xc2: {  	[dreg:$0x0] =	wrdreg $0xFFFFFFFF;
	(pc) =	sbr.abs _section_cstart, $3  }
0xc3: {  	[dreg:$0x1] =	wrdreg $0xFFFFFFFF  }
0xc4: {  	_ =	task.clear_ibuf [dreg:s9], $0x2FFFF;
	_ =	strace $0x9FFFFFFF  }
0xc5: {  	(tm) =	ssettm $0x7FFFFFFF  }
tec
execute0_lowered:
.L_overlay_start_1:
0x0: {  	(tag) =	ssettag $0x1  }
0x1: {  	s0 =	rddreg [dreg:$0x1]  }
0x2: {  	s1 =	rddreg [dreg:$0x2]  }
0x3: {  	s2 =	srdreg.scid;
	s3 =	simm.s32 $0x0;
	s6 =	stileid.u32  }
0x4: {  	s11 =	simm.s32 $0x80;
	s30 =	simm.s32 $0x800;
	s28 =	simm.s32 $0x5  }
0x5: {  	s29 =	simm.s32 $0x1;
	s31 =	simm.s32 $0x7880;
	s17 =	simm.s32 $0xA080  }
0x6: {  	s18 =	simm.s32 $0x2;
	s19 =	simm.s32 $0x3;
	s20 =	simm.s32 $0x4  }
0x7: {  	s21 =	simm.s32 $0x0;
	s2 =	sand.u32 $0x1, s2;
	[smem:$0x7FF] =	sst s3  }
0x8: {  	s6 =	sshll.u32 s6, $0xA;
	s4 =	ssub.s32 $0x2, s2;
	s2 =	sshll.u32 s2, $0x9  }
0x9: {  	_ =	strace $0x80000047;
	s5 =	sshrl.u32 s4, $0x1;
	s2 =	sor.u32 s2, s6  }
0xa: {  	s5 =	ssub.s32 s4, s5;
	s4 =	sadd.s32 s0, s2;
	s8 =	sor.u32 $0x80, s2  }
0xb: {  	s9 =	sor.u32 $0x180, s2;
	s7 =	sadd.s32 s1, s2;
	s2 =	simm.s32 $0x8880  }
0xc: {  	s23 =	sadd.s32 s0, s8;
	s6 =	sadd.s32 s0, s9;
	s24 =	sadd.s32 s1, s8  }
0xd: {  	s9 =	sadd.s32 s1, s9;
	s25 =	smax.u32 s5, $0x1;
	s26 =	sadd.s32 $0x4000, s4  }
0xe: {  	s12 =	sadd.s32 $0x8000, s4;
	s13 =	sadd.s32 $0xC000, s4;
	[dreg:$0x4] =	wrdreg s23  }
0xf: {  	s14 =	sadd.s32 $0x10000, s4;
	s15 =	sadd.s32 $0x14000, s4;
	[dreg:$0x5] =	wrdreg s24  }
0x10: {  	s16 =	sadd.s32 $0x18000, s4;
	s0 =	simm.s32 $0x8080;
	[dreg:$0x6] =	wrdreg s25  }
0x11: {  	s1 =	simm.s32 $0x9080;
	[dreg:$0x7] =	wrdreg s26;
	s26 =	simm.s32 $0x9880  }
.LBB2_1:
0x12: {  	[tilespmem:s11], [sflag:$0x1] =	stream.linear.gather [hbm4b:s4+s3], $0x400, $0x38;
	[tilespmem:$0xE080] =	vst v63  }
0x13: {  	s5 =	rddreg [dreg:$0x7];
	s8 =	simm.s32 $0x880  }
0x14: {  	[tilespmem:s8], [sflag:$0x1] =	stream.linear.gather [hbm4b:s5+s3], $0x400, $0x38;
	[tilespmem:$0xE080] =	vst v63  }
0x15: {  	s25 =	simm.s32 $0x1080  }
0x16: {  	[tilespmem:s25], [sflag:$0x1] =	stream.linear.gather [hbm4b:s12+s3], $0x400, $0x38;
	[tilespmem:$0xE080] =	vst v63  }
0x17: {  	s8 =	simm.s32 $0x1880  }
0x18: {  	[tilespmem:s8], [sflag:$0x1] =	stream.linear.gather [hbm4b:s13+s3], $0x400, $0x38;
	[tilespmem:$0xE080] =	vst v63  }
0x19: {  	s10 =	simm.s32 $0x2080  }
0x1a: {  	[tilespmem:s10], [sflag:$0x1] =	stream.linear.gather [hbm4b:s14+s3], $0x400, $0x38;
	[tilespmem:$0xE080] =	vst v63  }
0x1b: {  	s22 =	simm.s32 $0x2880  }
0x1c: {  	[tilespmem:s22], [sflag:$0x1] =	stream.linear.gather [hbm4b:s15+s3], $0x400, $0x38;
	[tilespmem:$0xE080] =	vst v63  }
0x1d: {  	s23 =	simm.s32 $0x3080  }
0x1e: {  	[tilespmem:s23], [sflag:$0x1] =	stream.linear.gather [hbm4b:s16+s3], $0x400, $0x38;
	[tilespmem:$0xE080] =	vst v63  }
0x1f: {  	s24 =	rddreg [dreg:$0x4];
	s25 =	simm.s32 $0x20000;
	s10 =	simm.s32 $0x3880  }
0x20: {  	[tilespmem:s10], [sflag:$0x2] =	stream.strided.gather [hbm4b:s24+s30], $0x3800, s25, s30, $0x38;
	[tilespmem:$0xE080] =	vst v63  }
0x21: {  	s8 =	rddreg [dreg:$0x0]  }
0x22: {  	[tilespmem:s3], [sflag:$0x5] =	stream.linear.gather [hbm4b:s8+s3], $0x80, $0x38;
	[tilespmem:$0xE080] =	vst v63  }
0x23: {  	_ =	swait.ge [sflag:s28], $0x80  }
0x24: {  	[sflag:s28] =	ssyncset.done $0x0  }
0x25: {  	[sflag:s28] =	ssyncadd.s32 $0xFFFFFF80  }
0x26: {  	_ =	swait.ge [sflag:s29], $0x1C00  }
0x27: {  	s22 =	sand.u32 $0x300, s3;
	s10 =	sand.u32 $0x3800, s3;
	[sflag:s29] =	ssyncset.done $0x0  }
0x28: {  	s5 =	sor.u32 s22, s10;
	[sflag:s29] =	ssyncadd.s32 $0xFFFFE400  }
0x29: {  	v0 =	vld [tilespmem:s5+$0x100]  }
0x2a: {  	v1 =	vld [tilespmem:s5+$0x80];
	_ =	sdelay $0x3  }
0x2b: {  	v2 =	vld [tilespmem:s5+$0x110]  }
0x2c: {  	v3 =	vld [tilespmem:s5+$0x90]  }
0x2d: {  	v4 =	vld [tilespmem:s5+$0xA0]  }
0x2e: {  	v0 =	vld.idx.msk [tilespmem:v0+s3+$0x0], $0xffff  }
0x2f: {  	v1 =	vld.idx.msk [tilespmem:v1+s3+$0x0], $0xffff  }
0x30: {  	v5 =	vld [tilespmem:s5+$0xB0]  }
0x31: {  	v6 =	vld [tilespmem:s5+$0xC0]  }
0x32: {  	v7 =	vld [tilespmem:s5+$0x140]  }
0x33: {  	s23 =	simm.s32 $0x100;
	s24 =	simm.s32 $0x200;
	[tilespmem:s5+$0x7100] =	vst v0;
	v0 =	vld [tilespmem:s5+$0x120]  }
0x34: {  	s10 =	sand.u32 $0x3800, s24;
	s8 =	sand.u32 $0x300, s23;
	[tilespmem:s5+$0x7080] =	vst v1;
	v2 =	vld.idx.msk [tilespmem:v2+s3+$0x0], $0xffff  }
0x35: {  	s22 =	sor.u32 s8, s10;
	v1 =	vld.idx.msk [tilespmem:v3+s3+$0x0], $0xffff  }
0x36: {  	v8 =	vld [tilespmem:s22+$0x80]  }
0x37: {  	v9 =	vld [tilespmem:s22+$0x90]  }
0x38: {  	v10 =	vld [tilespmem:s22+$0xA0]  }
0x39: {  	v11 =	vld [tilespmem:s22+$0x110];
	[tilespmem:s5+$0x7110] =	vst v2  }
0x3a: {  	v2 =	vld [tilespmem:s5+$0x130];
	[tilespmem:s5+$0x7090] =	vst v1  }
0x3b: {  	v1 =	vld.idx.msk [tilespmem:v4+s3+$0x0], $0xffff  }
0x3c: {  	s25 =	simm.s32 $0x200;
	s30 =	simm.s32 $0x400;
	v0 =	vld.idx.msk [tilespmem:v0+s3+$0x0], $0xffff  }
0x3d: {  	s10 =	sand.u32 $0x3800, s30;
	s8 =	sand.u32 $0x300, s25;
	v12 =	vld [tilespmem:s22+$0xB0]  }
0x3e: {  	s8 =	sor.u32 s8, s10;
	v13 =	vld [tilespmem:s22+$0xC0]  }
0x3f: {  	v59 =	vld [tilespmem:s8+$0x90]  }
0x40: {  	v14 =	vld [tilespmem:s8+$0xA0];
	[tilespmem:s5+$0x70A0] =	vst v1  }
0x41: {  	v1 =	vld [tilespmem:s22+$0x100];
	[tilespmem:s5+$0x7120] =	vst v0  }
0x42: {  	v2 =	vld.idx.msk [tilespmem:v2+s3+$0x0], $0xffff  }
0x43: {  	v15 =	vld [tilespmem:s8+$0x110]  }
0x44: {  	v16 =	vld [tilespmem:s22+$0x160]  }
0x45: {  	v60 =	vld [tilespmem:s22+$0x170]  }
0x46: {  	v8 =	vld.idx.msk [tilespmem:v8+s3+$0x0], $0xffff  }
0x47: {  	[tilespmem:s5+$0x7130] =	vst v2;
	v2 =	vld [tilespmem:s5+$0x150]  }
0x48: {  	v7 =	vld.idx.msk [tilespmem:v7+s3+$0x0], $0xffff  }
0x49: {  	v1 =	vld.idx.msk [tilespmem:v1+s3+$0x0], $0xffff  }
0x4a: {  	v62 =	vld [tilespmem:s8+$0x130]  }
0x4b: {  	[tilespmem:s22+$0x7080] =	vst v8;
	v5 =	vld.idx.msk [tilespmem:v5+s3+$0x0], $0xffff  }
0x4c: {  	v8 =	vld.idx.msk [tilespmem:v9+s3+$0x0], $0xffff  }
0x4d: {  	[tilespmem:s5+$0x7140] =	vst v7;
	v7 =	vld [tilespmem:s5+$0x160]  }
0x4e: {  	[tilespmem:s22+$0x7100] =	vst v1;
	v1 =	vld [tilespmem:s22+$0x120]  }
0x4f: {  	v2 =	vld.idx.msk [tilespmem:v2+s3+$0x0], $0xffff  }
0x50: {  	[tilespmem:s5+$0x70B0] =	vst v5;
	v5 =	vld.idx.msk [tilespmem:v11+s3+$0x0], $0xffff  }
0x51: {  	v3 =	vld [tilespmem:s5+$0xD0];
	[tilespmem:s22+$0x7090] =	vst v8  }
0x52: {  	v8 =	vld.idx.msk [tilespmem:v10+s3+$0x0], $0xffff  }
0x53: {  	v6 =	vld.idx.msk [tilespmem:v6+s3+$0x0], $0xffff  }
0x54: {  	[tilespmem:s5+$0x7150] =	vst v2;
	v2 =	vld [tilespmem:s5+$0x170]  }
0x55: {  	[tilespmem:s22+$0x7110] =	vst v5;
	v5 =	vld [tilespmem:s22+$0x130]  }
0x56: {  	v7 =	vld.idx.msk [tilespmem:v7+s3+$0x0], $0xffff  }
0x57: {  	[tilespmem:s22+$0x70A0] =	vst v8;
	v8 =	vld [tilespmem:s8+$0x80]  }
0x58: {  	[tilespmem:s5+$0x70C0] =	vst v6;
	v6 =	vld.idx.msk [tilespmem:v1+s3+$0x0], $0xffff  }
0x59: {  	v3 =	vld.idx.msk [tilespmem:v3+s3+$0x0], $0xffff  }
0x5a: {  	v4 =	vld [tilespmem:s5+$0xE0]  }
0x5b: {  	v9 =	vld [tilespmem:s22+$0xD0];
	[tilespmem:s5+$0x7160] =	vst v7  }
0x5c: {  	v7 =	vld.idx.msk [tilespmem:v2+s3+$0x0], $0xffff  }
0x5d: {  	[tilespmem:s22+$0x7120] =	vst v6;
	v2 =	vld [tilespmem:s22+$0x140]  }
0x5e: {  	[tilespmem:s5+$0x70D0] =	vst v3;
	v3 =	vld.idx.msk [tilespmem:v5+s3+$0x0], $0xffff  }
0x5f: {  	v6 =	vld [tilespmem:s8+$0x100]  }
0x60: {  	v8 =	vld.idx.msk [tilespmem:v8+s3+$0x0], $0xffff  }
0x61: {  	v10 =	vld [tilespmem:s22+$0xE0]  }
0x62: {  	v11 =	vld.idx.msk [tilespmem:v4+s3+$0x0], $0xffff  }
0x63: {  	[tilespmem:s22+$0x7130] =	vst v3;
	v3 =	vld [tilespmem:s22+$0x150]  }
0x64: {  	v4 =	vld.idx.msk [tilespmem:v12+s3+$0x0], $0xffff  }
0x65: {  	[tilespmem:s8+$0x7080] =	vst v8;
	v2 =	vld.idx.msk [tilespmem:v2+s3+$0x0], $0xffff  }
0x66: {  	v12 =	vld.idx.msk [tilespmem:v59+s3+$0x0], $0xffff  }
0x67: {  	v6 =	vld.idx.msk [tilespmem:v6+s3+$0x0], $0xffff  }
0x68: {  	v0 =	vld [tilespmem:s5+$0xF0]  }
0x69: {  	v1 =	vld [tilespmem:s22+$0xF0];
	[tilespmem:s22+$0x70B0] =	vst v4  }
0x6a: {  	v4 =	vld.idx.msk [tilespmem:v13+s3+$0x0], $0xffff;
	[tilespmem:s22+$0x7140] =	vst v2  }
0x6b: {  	[tilespmem:s8+$0x7090] =	vst v12;
	v3 =	vld.idx.msk [tilespmem:v3+s3+$0x0], $0xffff  }
0x6c: {  	[tilespmem:s8+$0x7100] =	vst v6;
	v6 =	vld [tilespmem:s8+$0x120]  }
0x6d: {  	v14 =	vld.idx.msk [tilespmem:v14+s3+$0x0], $0xffff  }
0x6e: {  	v8 =	vld.idx.msk [tilespmem:v15+s3+$0x0], $0xffff  }
0x6f: {  	v5 =	vld [tilespmem:s8+$0xB0];
	[tilespmem:s22+$0x70C0] =	vst v4  }
0x70: {  	v9 =	vld.idx.msk [tilespmem:v9+s3+$0x0], $0xffff;
	[tilespmem:s22+$0x7150] =	vst v3  }
0x71: {  	v61 =	vld.idx.msk [tilespmem:v16+s3+$0x0], $0xffff  }
0x72: {  	v4 =	vld [tilespmem:s8+$0xE0];
	[tilespmem:s5+$0x7170] =	vst v7  }
0x73: {  	v7 =	vld [tilespmem:s8+$0xF0];
	[tilespmem:s8+$0x7110] =	vst v8  }
0x74: {  	v63 =	vld.idx.msk [tilespmem:v6+s3+$0x0], $0xffff  }
0x75: {  	[tilespmem:s22+$0x70D0] =	vst v9;
	v9 =	vld [tilespmem:s8+$0x140]  }
0x76: {  	v2 =	vld [tilespmem:s8+$0xC0];
	[tilespmem:s22+$0x7160] =	vst v61  }
0x77: {  	v6 =	vld.idx.msk [tilespmem:v60+s3+$0x0], $0xffff  }
0x78: {  	[tilespmem:s5+$0x70E0] =	vst v11;
	v8 =	vld.idx.msk [tilespmem:v10+s3+$0x0], $0xffff  }
0x79: {  	v3 =	vld [tilespmem:s8+$0xD0];
	[tilespmem:s8+$0x7120] =	vst v63  }
0x7a: {  	s24 =	simm.s32 $0x600;
	s23 =	simm.s32 $0x300;
	s10 =	simm.s32 $0x4;
	[tilespmem:s8+$0x70A0] =	vst v14;
	v10 =	vld.idx.msk [tilespmem:v62+s3+$0x0], $0xffff  }
.LBB2_2:
0x7b: {  	s25 =	sand.u32 $0x3800, s24;
	s30 =	sand.u32 $0x300, s23;
	s10 =	sadd.s32 $0x2, s10;
	v5 =	vld.idx.msk [tilespmem:v5+s3+$0x0], $0xffff  }
0x7c: {  	s25 =	sor.u32 s30, s25;
	p0 =	slt.u32 s10, $0x30;
	[tilespmem:s22+$0x7170] =	vst v6;
	v6 =	vld.idx.msk [tilespmem:v0+s3+$0x0], $0xffff;
	v0 =	vmov v1;
	v1 =	vmov v7  }
0x7d: {  	v7 =	vld [tilespmem:s25+$0x100]  }
0x7e: {  	v11 =	vld [tilespmem:s25+$0x80];
	[tilespmem:s22+$0x70E0] =	vst v8  }
0x7f: {  	v8 =	vld [tilespmem:s25+$0x90]  }
0x80: {  	[tilespmem:s8+$0x7130] =	vst v10;
	v10 =	vld [tilespmem:s8+$0x150]  }
0x81: {  	[tilespmem:s8+$0x70B0] =	vst v5;
	v9 =	vld.idx.msk [tilespmem:v9+s3+$0x0], $0xffff  }
0x82: {  	v12 =	vld [tilespmem:s25+$0xA0];
	[tilespmem:s5+$0x70F0] =	vst v6;
	s5 =	smov.u32 s22;
	s22 =	smov.u32 s8;
	s8 =	smov.u32 s25  }
0x83: {  	v5 =	vld [tilespmem:s8+$0xB0]  }
0x84: {  	v6 =	vld [tilespmem:s8+$0x110]  }
0x85: {  	v7 =	vld.idx.msk [tilespmem:v7+s3+$0x0], $0xffff  }
0x86: {  	v11 =	vld.idx.msk [tilespmem:v11+s3+$0x0], $0xffff  }
0x87: {  	[tilespmem:s22+$0x7140] =	vst v9;
	v9 =	vld [tilespmem:s22+$0x160]  }
0x88: {  	v10 =	vld.idx.msk [tilespmem:v10+s3+$0x0], $0xffff  }
0x89: {  	v13 =	vld [tilespmem:s8+$0xC0]  }
0x8a: {  	v14 =	vld.idx.msk [tilespmem:v2+s3+$0x0], $0xffff  }
0x8b: {  	[tilespmem:s8+$0x7100] =	vst v7;
	v7 =	vld [tilespmem:s8+$0x120]  }
0x8c: {  	[tilespmem:s8+$0x7080] =	vst v11;
	v6 =	vld.idx.msk [tilespmem:v6+s3+$0x0], $0xffff  }
0x8d: {  	v8 =	vld.idx.msk [tilespmem:v8+s3+$0x0], $0xffff  }
0x8e: {  	[tilespmem:s22+$0x7150] =	vst v10;
	v10 =	vld [tilespmem:s22+$0x170];
	v2 =	vmov v13  }
0x8f: {  	v9 =	vld.idx.msk [tilespmem:v9+s3+$0x0], $0xffff  }
0x90: {  	v11 =	vld [tilespmem:s8+$0xD0];
	[tilespmem:s22+$0x70C0] =	vst v14  }
0x91: {  	v13 =	vld.idx.msk [tilespmem:v3+s3+$0x0], $0xffff  }
0x92: {  	[tilespmem:s8+$0x7110] =	vst v6;
	v14 =	vld [tilespmem:s8+$0x130]  }
0x93: {  	[tilespmem:s8+$0x7090] =	vst v8;
	v15 =	vld.idx.msk [tilespmem:v7+s3+$0x0], $0xffff  }
0x94: {  	v12 =	vld.idx.msk [tilespmem:v12+s3+$0x0], $0xffff  }
0x95: {  	v16 =	vld [tilespmem:s8+$0xE0];
	[tilespmem:s22+$0x7160] =	vst v9;
	v3 =	vmov v11  }
.Ltmp0:
0x96: {  	v6 =	vld.idx.msk [tilespmem:v10+s3+$0x0], $0xffff;
	(pc) =	sbr.rel @p0 .LBB2_2-.Ltmp0, $4  }
0x97: {  	v7 =	vld [tilespmem:s8+$0xF0];
	[tilespmem:s22+$0x70D0] =	vst v13  }
0x98: {  	v8 =	vld.idx.msk [tilespmem:v4+s3+$0x0], $0xffff  }
0x99: {  	[tilespmem:s8+$0x7120] =	vst v15;
	v9 =	vld [tilespmem:s8+$0x140]  }
0x9a: {  	s23 =	sadd.s32 $0x100, s23;
	s24 =	sadd.s32 $0x200, s24;
	[tilespmem:s8+$0x70A0] =	vst v12;
	v10 =	vld.idx.msk [tilespmem:v14+s3+$0x0], $0xffff;
	v4 =	vmov v16  }
0x9b: {  	_ =	sdelay $0x3  }
0x9c: {  	v5 =	vld.idx.msk [tilespmem:v5+s3+$0x0], $0xffff;
	_ =	sdelay $0x2  }
0x9d: {  	[tilespmem:s8+$0x7130] =	vst v10;
	v10 =	vld [tilespmem:s8+$0x150];
	_ =	sdelay $0x1  }
0x9e: {  	v9 =	vld.idx.msk [tilespmem:v9+s3+$0x0], $0xffff;
	[tilespmem:s8+$0x70B0] =	vst v5  }
0x9f: {  	v2 =	vld.idx.msk [tilespmem:v2+s3+$0x0], $0xffff;
	_ =	sdelay $0x2  }
0xa0: {  	v5 =	vld [tilespmem:s8+$0x160]  }
0xa1: {  	[tilespmem:s8+$0x7140] =	vst v9  }
0xa2: {  	[tilespmem:s8+$0x70C0] =	vst v2;
	v9 =	vld.idx.msk [tilespmem:v10+s3+$0x0], $0xffff  }
0xa3: {  	v2 =	vld.idx.msk [tilespmem:v3+s3+$0x0], $0xffff;
	_ =	sdelay $0x2  }
0xa4: {  	v3 =	vld [tilespmem:s8+$0x170]  }
0xa5: {  	[tilespmem:s8+$0x7150] =	vst v9  }
0xa6: {  	[tilespmem:s8+$0x70D0] =	vst v2;
	v5 =	vld.idx.msk [tilespmem:v5+s3+$0x0], $0xffff  }
0xa7: {  	v2 =	vld.idx.msk [tilespmem:v4+s3+$0x0], $0xffff;
	_ =	sdelay $0x2  }
0xa8: {  	v0 =	vld.idx.msk [tilespmem:v0+s3+$0x0], $0xffff;
	[tilespmem:s22+$0x70E0] =	vst v8  }
0xa9: {  	v1 =	vld.idx.msk [tilespmem:v1+s3+$0x0], $0xffff;
	[tilespmem:s8+$0x7160] =	vst v5  }
0xaa: {  	[tilespmem:s8+$0x70E0] =	vst v2;
	v3 =	vld.idx.msk [tilespmem:v3+s3+$0x0], $0xffff  }
0xab: {  	v2 =	vld.idx.msk [tilespmem:v7+s3+$0x0], $0xffff  }
0xac: {  	[tilespmem:s22+$0x7170] =	vst v6  }
0xad: {  	[tilespmem:s5+$0x70F0] =	vst v0  }
0xae: {  	[tilespmem:s22+$0x70F0] =	vst v1  }
0xaf: {  	[tilespmem:s8+$0x7170] =	vst v3  }
0xb0: {  	s5 =	simm.s32 $0x0;
	[tilespmem:s8+$0x70F0] =	vst v2  }
0xb1: {  	[tilespmem:s11], [sflag:$0x1] =	stream.linear.gather [hbm4b:s6+s5], $0x400, $0x38;
	[tilespmem:$0xE080] =	vst v63  }
0xb2: {  	s30 =	sadd.s32 $0x4000, s6;
	s10 =	simm.s32 $0x880  }
0xb3: {  	[tilespmem:s10], [sflag:$0x1] =	stream.linear.gather [hbm4b:s30+s5], $0x400, $0x38;
	[tilespmem:$0xE080] =	vst v63  }
0xb4: {  	s22 =	simm.s32 $0x1080;
	s11 =	sadd.s32 $0x8000, s6  }
0xb5: {  	[tilespmem:s22], [sflag:$0x1] =	stream.linear.gather [hbm4b:s11+s5], $0x400, $0x38;
	[tilespmem:$0xE080] =	vst v63  }
0xb6: {  	s23 =	sadd.s32 $0xC000, s6;
	s24 =	simm.s32 $0x1880  }
0xb7: {  	[tilespmem:s24], [sflag:$0x1] =	stream.linear.gather [hbm4b:s23+s5], $0x400, $0x38;
	[tilespmem:$0xE080] =	vst v63  }
0xb8: {  	s25 =	sadd.s32 $0x10000, s6;
	s30 =	simm.s32 $0x2080  }
0xb9: {  	[tilespmem:s30], [sflag:$0x1] =	stream.linear.gather [hbm4b:s25+s5], $0x400, $0x38;
	[tilespmem:$0xE080] =	vst v63  }
0xba: {  	s11 =	sadd.s32 $0x14000, s6;
	s22 =	simm.s32 $0x2880  }
0xbb: {  	[tilespmem:s22], [sflag:$0x1] =	stream.linear.gather [hbm4b:s11+s5], $0x400, $0x38;
	[tilespmem:$0xE080] =	vst v63  }
0xbc: {  	s23 =	sadd.s32 $0x18000, s6;
	s24 =	simm.s32 $0x3080  }
0xbd: {  	[tilespmem:s24], [sflag:$0x1] =	stream.linear.gather [hbm4b:s23+s5], $0x400, $0x38;
	[tilespmem:$0xE080] =	vst v63  }
0xbe: {  	s25 =	simm.s32 $0x7080  }
0xbf: {  	[hbm4b:s7+s5] =	stream.linear.scatter [tilespmem:s25], [sflag:$0x3], $0x400, $0x38;
	[tilespmem:$0xE080] =	vst v63  }
0xc0: {  	s30 =	sadd.s32 $0x4000, s7  }
0xc1: {  	[hbm4b:s30+s5] =	stream.linear.scatter [tilespmem:s31], [sflag:$0x3], $0x400, $0x38;
	[tilespmem:$0xE080] =	vst v63  }
0xc2: {  	s10 =	sadd.s32 $0x8000, s7  }
0xc3: {  	[hbm4b:s10+s5] =	stream.linear.scatter [tilespmem:s0], [sflag:$0x3], $0x400, $0x38;
	[tilespmem:$0xE080] =	vst v63  }
0xc4: {  	s11 =	sadd.s32 $0xC000, s7  }
0xc5: {  	[hbm4b:s11+s5] =	stream.linear.scatter [tilespmem:s2], [sflag:$0x3], $0x400, $0x38;
	[tilespmem:$0xE080] =	vst v63  }
0xc6: {  	s22 =	sadd.s32 $0x10000, s7  }
0xc7: {  	[hbm4b:s22+s5] =	stream.linear.scatter [tilespmem:s1], [sflag:$0x3], $0x400, $0x38;
	[tilespmem:$0xE080] =	vst v63  }
0xc8: {  	s23 =	sadd.s32 $0x14000, s7  }
0xc9: {  	[hbm4b:s23+s5] =	stream.linear.scatter [tilespmem:s26], [sflag:$0x3], $0x400, $0x38;
	[tilespmem:$0xE080] =	vst v63  }
0xca: {  	s24 =	sadd.s32 $0x18000, s7  }
0xcb: {  	[hbm4b:s24+s5] =	stream.linear.scatter [tilespmem:s17], [sflag:$0x3], $0x400, $0x38;
	[tilespmem:$0xE080] =	vst v63  }
0xcc: {  	_ =	swait.ge [sflag:s18], $0x3800  }
0xcd: {  	s25 =	sand.u32 $0x3800, s5;
	s5 =	sand.u32 $0x300, s5;
	[sflag:s18] =	ssyncset.done $0x0  }
0xce: {  	s22 =	sor.u32 s5, s25;
	[sflag:s18] =	ssyncadd.s32 $0xFFFFC800  }
0xcf: {  	v0 =	vld [tilespmem:s22+$0x3900]  }
0xd0: {  	v1 =	vld [tilespmem:s22+$0x3880]  }
0xd1: {  	v2 =	vld [tilespmem:s22+$0x3910]  }
0xd2: {  	v3 =	vld [tilespmem:s22+$0x3890]  }
0xd3: {  	v4 =	vld [tilespmem:s22+$0x38A0]  }
0xd4: {  	v5 =	vld [tilespmem:s22+$0x38B0]  }
0xd5: {  	v6 =	vld [tilespmem:s22+$0x3920]  }
0xd6: {  	v7 =	vld [tilespmem:s22+$0x38C0]  }
0xd7: {  	v8 =	vld [tilespmem:s22+$0x38E0]  }
0xd8: {  	s30 =	simm.s32 $0x100;
	s10 =	simm.s32 $0x200;
	v9 =	vld [tilespmem:s22+$0x3C80]  }
0xd9: {  	s8 =	sand.u32 $0x3800, s10;
	s5 =	sand.u32 $0x300, s30;
	v10 =	vld [tilespmem:s22+$0x3CC0]  }
0xda: {  	s23 =	sor.u32 s5, s8;
	v11 =	vld [tilespmem:s22+$0x3D00]  }
0xdb: {  	v12 =	vld [tilespmem:s23+$0x3900]  }
0xdc: {  	v13 =	vld [tilespmem:s23+$0x3890]  }
0xdd: {  	v14 =	vld [tilespmem:s23+$0x38A0]  }
0xde: {  	v15 =	vld [tilespmem:s23+$0x38B0]  }
0xdf: {  	v16 =	vld [tilespmem:s22+$0x3D20]  }
0xe0: {  	v0 =	vld.idx.msk [tilespmem:v0+s3+$0x0], $0xffff  }
0xe1: {  	v17 =	vld [tilespmem:s23+$0x3910]  }
0xe2: {  	v18 =	vld [tilespmem:s23+$0x38D0]  }
0xe3: {  	v1 =	vld.idx.msk [tilespmem:v1+s3+$0x0], $0xffff  }
0xe4: {  	v19 =	vld [tilespmem:s22+$0x3D30]  }
0xe5: {  	v20 =	vld [tilespmem:s23+$0x3920];
	[tilespmem:s22+$0xA900] =	vst v0  }
0xe6: {  	v0 =	vld.idx.msk [tilespmem:v2+s3+$0x0], $0xffff  }
0xe7: {  	v21 =	vld [tilespmem:s23+$0x3930]  }
0xe8: {  	s11 =	simm.s32 $0x200;
	s24 =	simm.s32 $0x400;
	v44 =	vld [tilespmem:s23+$0x3D20];
	[tilespmem:s22+$0xA880] =	vst v1  }
0xe9: {  	s8 =	sand.u32 $0x3800, s24;
	s5 =	sand.u32 $0x300, s11;
	v1 =	vld.idx.msk [tilespmem:v3+s3+$0x0], $0xffff  }
0xea: {  	s5 =	sor.u32 s5, s8;
	v3 =	vld [tilespmem:s22+$0x3930]  }
0xeb: {  	v45 =	vld [tilespmem:s5+$0x3910];
	[tilespmem:s22+$0xA910] =	vst v0  }
0xec: {  	v0 =	vld.idx.msk [tilespmem:v6+s3+$0x0], $0xffff  }
0xed: {  	v22 =	vld [tilespmem:s5+$0x38D0]  }
0xee: {  	v23 =	vld [tilespmem:s23+$0x3D30];
	[tilespmem:s22+$0xA890] =	vst v1  }
0xef: {  	v1 =	vld.idx.msk [tilespmem:v4+s3+$0x0], $0xffff  }
0xf0: {  	v4 =	vld [tilespmem:s22+$0x3940]  }
0xf1: {  	v24 =	vld [tilespmem:s5+$0x3920];
	[tilespmem:s22+$0xA920] =	vst v0  }
0xf2: {  	v0 =	vld.idx.msk [tilespmem:v3+s3+$0x0], $0xffff  }
0xf3: {  	v46 =	vld [tilespmem:s5+$0x38F0]  }
0xf4: {  	v47 =	vld [tilespmem:s23+$0x3D40];
	[tilespmem:s22+$0xA8A0] =	vst v1  }
0xf5: {  	v1 =	vld.idx.msk [tilespmem:v5+s3+$0x0], $0xffff  }
0xf6: {  	v3 =	vld [tilespmem:s22+$0x3950]  }
0xf7: {  	v25 =	vld [tilespmem:s5+$0x3930];
	[tilespmem:s22+$0xA930] =	vst v0  }
0xf8: {  	v0 =	vld.idx.msk [tilespmem:v4+s3+$0x0], $0xffff  }
0xf9: {  	v2 =	vld [tilespmem:s22+$0x38D0]  }
0xfa: {  	v48 =	vld [tilespmem:s5+$0x3940];
	[tilespmem:s22+$0xA8B0] =	vst v1  }
0xfb: {  	v1 =	vld.idx.msk [tilespmem:v7+s3+$0x0], $0xffff  }
0xfc: {  	v5 =	vld [tilespmem:s22+$0x3960]  }
0xfd: {  	v49 =	vld [tilespmem:s5+$0x3950];
	[tilespmem:s22+$0xA940] =	vst v0  }
0xfe: {  	v0 =	vld.idx.msk [tilespmem:v3+s3+$0x0], $0xffff  }
0xff: {  	v50 =	vld [tilespmem:s5+$0x3CC0]  }
0x100: {  	v53 =	vld [tilespmem:s5+$0x3D20];
	[tilespmem:s22+$0xA8C0] =	vst v1  }
0x101: {  	v1 =	vld.idx.msk [tilespmem:v2+s3+$0x0], $0xffff  }
0x102: {  	v2 =	vld [tilespmem:s22+$0x3970]  }
0x103: {  	v26 =	vld [tilespmem:s5+$0x3D30];
	[tilespmem:s22+$0xA950] =	vst v0  }
0x104: {  	v0 =	vld.idx.msk [tilespmem:v5+s3+$0x0], $0xffff  }
0x105: {  	v6 =	vld [tilespmem:s22+$0x38F0]  }
0x106: {  	s25 =	simm.s32 $0x300;
	s30 =	simm.s32 $0x600;
	v57 =	vld [tilespmem:s5+$0x3D40];
	[tilespmem:s22+$0xA8D0] =	vst v1  }
0x107: {  	s10 =	sand.u32 $0x3800, s30;
	s8 =	sand.u32 $0x300, s25;
	v1 =	vld.idx.msk [tilespmem:v8+s3+$0x0], $0xffff  }
0x108: {  	s24 =	sor.u32 s8, s10;
	v59 =	vld [tilespmem:s5+$0x3D60]  }
0x109: {  	v51 =	vld [tilespmem:s24+$0x38A0];
	[tilespmem:s22+$0xA960] =	vst v0  }
0x10a: {  	v2 =	vld.idx.msk [tilespmem:v2+s3+$0x0], $0xffff  }
0x10b: {  	v52 =	vld [tilespmem:s24+$0x38B0]  }
0x10c: {  	v54 =	vld [tilespmem:s24+$0x3910];
	[tilespmem:s22+$0xA8E0] =	vst v1  }
0x10d: {  	v1 =	vld.idx.msk [tilespmem:v6+s3+$0x0], $0xffff  }
0x10e: {  	v6 =	vld [tilespmem:s22+$0x3D10]  }
0x10f: {  	v55 =	vld [tilespmem:s24+$0x38D0];
	[tilespmem:s22+$0xA970] =	vst v2  }
0x110: {  	v2 =	vld.idx.msk [tilespmem:v11+s3+$0x0], $0xffff  }
0x111: {  	v11 =	vld [tilespmem:s23+$0x3880]  }
0x112: {  	v27 =	vld [tilespmem:s24+$0x3920]  }
0x113: {  	v56 =	vld [tilespmem:s24+$0x38F0]  }
0x114: {  	v28 =	vld [tilespmem:s24+$0x3930]  }
0x115: {  	v60 =	vld [tilespmem:s24+$0x3950];
	[tilespmem:s22+$0xAD00] =	vst v2  }
0x116: {  	v2 =	vld.idx.msk [tilespmem:v6+s3+$0x0], $0xffff  }
0x117: {  	v6 =	vld.idx.msk [tilespmem:v12+s3+$0x0], $0xffff  }
0x118: {  	v61 =	vld [tilespmem:s24+$0x3960]  }
0x119: {  	v11 =	vld.idx.msk [tilespmem:v11+s3+$0x0], $0xffff  }
0x11a: {  	v4 =	vld [tilespmem:s22+$0x3C90]  }
0x11b: {  	v7 =	vld [tilespmem:s22+$0x3CA0]  }
0x11c: {  	v5 =	vld [tilespmem:s22+$0x3CB0];
	[tilespmem:s23+$0xA900] =	vst v6  }
0x11d: {  	[tilespmem:s22+$0xAD10] =	vst v2;
	v6 =	vld.idx.msk [tilespmem:v17+s3+$0x0], $0xffff  }
0x11e: {  	v2 =	vld.idx.msk [tilespmem:v16+s3+$0x0], $0xffff;
	[tilespmem:s23+$0xA880] =	vst v11  }
0x11f: {  	[tilespmem:s22+$0xA8F0] =	vst v1;
	v11 =	vld.idx.msk [tilespmem:v13+s3+$0x0], $0xffff  }
0x120: {  	v1 =	vld.idx.msk [tilespmem:v9+s3+$0x0], $0xffff  }
0x121: {  	v9 =	vld [tilespmem:s22+$0x3D50]  }
0x122: {  	v17 =	vld [tilespmem:s22+$0x3D40];
	[tilespmem:s23+$0xA910] =	vst v6  }
0x123: {  	[tilespmem:s22+$0xAD20] =	vst v2;
	v6 =	vld.idx.msk [tilespmem:v20+s3+$0x0], $0xffff  }
0x124: {  	v2 =	vld.idx.msk [tilespmem:v19+s3+$0x0], $0xffff;
	[tilespmem:s23+$0xA890] =	vst v11  }
0x125: {  	v11 =	vld.idx.msk [tilespmem:v14+s3+$0x0], $0xffff  }
0x126: {  	v12 =	vld [tilespmem:s23+$0x38C0]  }
0x127: {  	[tilespmem:s22+$0xAC80] =	vst v1;
	v19 =	vld [tilespmem:s23+$0x3940]  }
0x128: {  	v1 =	vld.idx.msk [tilespmem:v4+s3+$0x0], $0xffff;
	[tilespmem:s23+$0xA920] =	vst v6  }
0x129: {  	[tilespmem:s22+$0xAD30] =	vst v2;
	v6 =	vld.idx.msk [tilespmem:v21+s3+$0x0], $0xffff  }
0x12a: {  	v2 =	vld.idx.msk [tilespmem:v17+s3+$0x0], $0xffff;
	[tilespmem:s23+$0xA8A0] =	vst v11  }
0x12b: {  	v11 =	vld.idx.msk [tilespmem:v15+s3+$0x0], $0xffff  }
0x12c: {  	v4 =	vld [tilespmem:s22+$0x3D60]  }
0x12d: {  	[tilespmem:s22+$0xAC90] =	vst v1;
	v17 =	vld [tilespmem:s23+$0x3950]  }
0x12e: {  	v1 =	vld.idx.msk [tilespmem:v7+s3+$0x0], $0xffff;
	[tilespmem:s23+$0xA930] =	vst v6  }
0x12f: {  	[tilespmem:s22+$0xAD40] =	vst v2;
	v6 =	vld.idx.msk [tilespmem:v19+s3+$0x0], $0xffff  }
0x130: {  	v2 =	vld.idx.msk [tilespmem:v9+s3+$0x0], $0xffff;
	[tilespmem:s23+$0xA8B0] =	vst v11  }
0x131: {  	v9 =	vld.idx.msk [tilespmem:v12+s3+$0x0], $0xffff  }
0x132: {  	v3 =	vld [tilespmem:s22+$0x3CE0]  }
0x133: {  	v7 =	vld [tilespmem:s23+$0x3960];
	[tilespmem:s22+$0xACA0] =	vst v1  }
0x134: {  	v13 =	vld [tilespmem:s23+$0x38E0];
	[tilespmem:s23+$0xA940] =	vst v6  }
0x135: {  	[tilespmem:s22+$0xAD50] =	vst v2;
	v2 =	vld.idx.msk [tilespmem:v17+s3+$0x0], $0xffff  }
0x136: {  	v5 =	vld.idx.msk [tilespmem:v5+s3+$0x0], $0xffff;
	[tilespmem:s23+$0xA8C0] =	vst v9  }
0x137: {  	v6 =	vld.idx.msk [tilespmem:v18+s3+$0x0], $0xffff  }
0x138: {  	v4 =	vld.idx.msk [tilespmem:v4+s3+$0x0], $0xffff  }
0x139: {  	v8 =	vld [tilespmem:s22+$0x3CD0]  }
0x13a: {  	v1 =	vld [tilespmem:s23+$0x3970];
	[tilespmem:s23+$0xA950] =	vst v2  }
0x13b: {  	[tilespmem:s22+$0xACB0] =	vst v5;
	v2 =	vld.idx.msk [tilespmem:v7+s3+$0x0], $0xffff  }
0x13c: {  	v0 =	vld [tilespmem:s22+$0x3CF0];
	[tilespmem:s23+$0xA8D0] =	vst v6  }
0x13d: {  	[tilespmem:s22+$0xAD60] =	vst v4;
	v4 =	vld.idx.msk [tilespmem:v13+s3+$0x0], $0xffff  }
0x13e: {  	v5 =	vld.idx.msk [tilespmem:v10+s3+$0x0], $0xffff  }
0x13f: {  	v16 =	vld [tilespmem:s23+$0x38F0]  }
0x140: {  	[tilespmem:s23+$0xA960] =	vst v2;
	v2 =	vld [tilespmem:s23+$0x3D00]  }
0x141: {  	v14 =	vld [tilespmem:s23+$0x3C80]  }
0x142: {  	[tilespmem:s23+$0xA8E0] =	vst v4;
	v4 =	vld.idx.msk [tilespmem:v1+s3+$0x0], $0xffff  }
0x143: {  	v15 =	vld [tilespmem:s23+$0x3C90];
	[tilespmem:s22+$0xACC0] =	vst v5  }
0x144: {  	v5 =	vld.idx.msk [tilespmem:v8+s3+$0x0], $0xffff  }
0x145: {  	v8 =	vld [tilespmem:s23+$0x3D10]  }
0x146: {  	v13 =	vld [tilespmem:s5+$0x3900]  }
0x147: {  	[tilespmem:s23+$0xA970] =	vst v4;
	v4 =	vld [tilespmem:s5+$0x3880]  }
0x148: {  	v2 =	vld.idx.msk [tilespmem:v2+s3+$0x0], $0xffff  }
0x149: {  	v19 =	vld [tilespmem:s5+$0x38B0]  }
0x14a: {  	v11 =	vld [tilespmem:s22+$0x3D70]  }
0x14b: {  	v12 =	vld [tilespmem:s23+$0x3CA0]  }
0x14c: {  	v17 =	vld [tilespmem:s23+$0x3CB0]  }
0x14d: {  	v18 =	vld [tilespmem:s5+$0x38A0];
	[tilespmem:s23+$0xAD00] =	vst v2  }
0x14e: {  	v2 =	vld.idx.msk [tilespmem:v8+s3+$0x0], $0xffff  }
0x14f: {  	v8 =	vld.idx.msk [tilespmem:v13+s3+$0x0], $0xffff  }
0x150: {  	v4 =	vld.idx.msk [tilespmem:v4+s3+$0x0], $0xffff  }
0x151: {  	v10 =	vld.idx.msk [tilespmem:v16+s3+$0x0], $0xffff  }
0x152: {  	v16 =	vld [tilespmem:s5+$0x3890]  }
0x153: {  	v7 =	vld [tilespmem:s23+$0x3CC0]  }
0x154: {  	v9 =	vld.idx.msk [tilespmem:v11+s3+$0x0], $0xffff;
	[tilespmem:s5+$0xA900] =	vst v8  }
0x155: {  	[tilespmem:s5+$0xA880] =	vst v4;
	v4 =	vld.idx.msk [tilespmem:v45+s3+$0x0], $0xffff  }
0x156: {  	v11 =	vld [tilespmem:s23+$0x3CE0];
	[tilespmem:s23+$0xA8F0] =	vst v10  }
0x157: {  	v14 =	vld.idx.msk [tilespmem:v14+s3+$0x0], $0xffff;
	[tilespmem:s23+$0xAD10] =	vst v2  }
0x158: {  	v2 =	vld.idx.msk [tilespmem:v44+s3+$0x0], $0xffff  }
0x159: {  	v6 =	vld [tilespmem:s23+$0x3CD0]  }
0x15a: {  	v8 =	vld.idx.msk [tilespmem:v16+s3+$0x0], $0xffff;
	[tilespmem:s5+$0xA910] =	vst v4  }
0x15b: {  	[tilespmem:s22+$0xAD70] =	vst v9;
	v4 =	vld.idx.msk [tilespmem:v24+s3+$0x0], $0xffff  }
0x15c: {  	v9 =	vld [tilespmem:s24+$0x3CE0];
	[tilespmem:s23+$0xAC80] =	vst v14  }
0x15d: {  	v14 =	vld.idx.msk [tilespmem:v15+s3+$0x0], $0xffff;
	[tilespmem:s23+$0xAD20] =	vst v2  }
0x15e: {  	v2 =	vld.idx.msk [tilespmem:v23+s3+$0x0], $0xffff  }
0x15f: {  	v1 =	vld [tilespmem:s23+$0x3CF0];
	[tilespmem:s5+$0xA890] =	vst v8  }
0x160: {  	v8 =	vld.idx.msk [tilespmem:v18+s3+$0x0], $0xffff;
	[tilespmem:s5+$0xA920] =	vst v4  }
0x161: {  	v4 =	vld.idx.msk [tilespmem:v25+s3+$0x0], $0xffff  }
0x162: {  	[tilespmem:s23+$0xAC90] =	vst v14;
	v18 =	vld [tilespmem:s23+$0x3D50]  }
0x163: {  	v12 =	vld.idx.msk [tilespmem:v12+s3+$0x0], $0xffff;
	[tilespmem:s23+$0xAD30] =	vst v2  }
0x164: {  	v2 =	vld.idx.msk [tilespmem:v47+s3+$0x0], $0xffff  }
0x165: {  	v10 =	vld [tilespmem:s5+$0x3C80]  }
0x166: {  	v13 =	vld [tilespmem:s5+$0x38C0];
	[tilespmem:s5+$0xA930] =	vst v4  }
0x167: {  	v4 =	vld.idx.msk [tilespmem:v48+s3+$0x0], $0xffff  }
0x168: {  	v15 =	vld [tilespmem:s23+$0x3D60];
	[tilespmem:s23+$0xACA0] =	vst v12  }
0x169: {  	v12 =	vld.idx.msk [tilespmem:v17+s3+$0x0], $0xffff;
	[tilespmem:s23+$0xAD40] =	vst v2  }
0x16a: {  	v2 =	vld.idx.msk [tilespmem:v18+s3+$0x0], $0xffff  }
0x16b: {  	v18 =	vld [tilespmem:s5+$0x3960]  }
0x16c: {  	v14 =	vld [tilespmem:s23+$0x3D70];
	[tilespmem:s5+$0xA940] =	vst v4  }
0x16d: {  	[tilespmem:s5+$0xA8A0] =	vst v8;
	v4 =	vld.idx.msk [tilespmem:v49+s3+$0x0], $0xffff  }
0x16e: {  	[tilespmem:s23+$0xACB0] =	vst v12;
	v8 =	vld.idx.msk [tilespmem:v19+s3+$0x0], $0xffff  }
0x16f: {  	v7 =	vld.idx.msk [tilespmem:v7+s3+$0x0], $0xffff  }
0x170: {  	v16 =	vld [tilespmem:s5+$0x38E0]  }
0x171: {  	v17 =	vld [tilespmem:s5+$0x3970]  }
0x172: {  	v19 =	vld [tilespmem:s5+$0x3C90];
	[tilespmem:s5+$0xA950] =	vst v4  }
0x173: {  	[tilespmem:s5+$0xA8B0] =	vst v8;
	v4 =	vld.idx.msk [tilespmem:v18+s3+$0x0], $0xffff  }
0x174: {  	[tilespmem:s23+$0xACC0] =	vst v7;
	v7 =	vld [tilespmem:s24+$0x3900]  }
0x175: {  	v8 =	vld.idx.msk [tilespmem:v13+s3+$0x0], $0xffff  }
0x176: {  	v13 =	vld [tilespmem:s5+$0x3CA0]  }
0x177: {  	v12 =	vld.idx.msk [tilespmem:v6+s3+$0x0], $0xffff  }
0x178: {  	[tilespmem:s5+$0xA960] =	vst v4;
	v4 =	vld [tilespmem:s5+$0x3D00]  }
0x179: {  	[tilespmem:s22+$0xACD0] =	vst v5;
	v6 =	vld [tilespmem:s5+$0x3D10]  }
0x17a: {  	[tilespmem:s23+$0xAD50] =	vst v2;
	v5 =	vld.idx.msk [tilespmem:v17+s3+$0x0], $0xffff  }
0x17b: {  	v2 =	vld.idx.msk [tilespmem:v15+s3+$0x0], $0xffff  }
0x17c: {  	[tilespmem:s5+$0xA8C0] =	vst v8;
	v15 =	vld [tilespmem:s5+$0x3CB0]  }
0x17d: {  	[tilespmem:s23+$0xACD0] =	vst v12;
	v8 =	vld.idx.msk [tilespmem:v22+s3+$0x0], $0xffff  }
0x17e: {  	v12 =	vld.idx.msk [tilespmem:v11+s3+$0x0], $0xffff  }
0x17f: {  	[tilespmem:s5+$0xA970] =	vst v5;
	v5 =	vld [tilespmem:s24+$0x3880]  }
0x180: {  	v4 =	vld.idx.msk [tilespmem:v4+s3+$0x0], $0xffff  }
0x181: {  	v11 =	vld [tilespmem:s24+$0x3CF0];
	[tilespmem:s23+$0xAD60] =	vst v2  }
0x182: {  	v2 =	vld [tilespmem:s5+$0x3CE0];
	[tilespmem:s5+$0xA8D0] =	vst v8  }
0x183: {  	v8 =	vld.idx.msk [tilespmem:v16+s3+$0x0], $0xffff  }
0x184: {  	v14 =	vld.idx.msk [tilespmem:v14+s3+$0x0], $0xffff  }
0x185: {  	v17 =	vld [tilespmem:s24+$0x3890];
	[tilespmem:s5+$0xAD00] =	vst v4  }
0x186: {  	v4 =	vld.idx.msk [tilespmem:v6+s3+$0x0], $0xffff  }
0x187: {  	v6 =	vld.idx.msk [tilespmem:v7+s3+$0x0], $0xffff  }
0x188: {  	[tilespmem:s5+$0xA8E0] =	vst v8;
	v5 =	vld.idx.msk [tilespmem:v5+s3+$0x0], $0xffff  }
0x189: {  	v8 =	vld.idx.msk [tilespmem:v46+s3+$0x0], $0xffff  }
0x18a: {  	v18 =	vld [tilespmem:s5+$0x3CD0]  }
0x18b: {  	v16 =	vld.idx.msk [tilespmem:v3+s3+$0x0], $0xffff;
	[tilespmem:s5+$0xAD10] =	vst v4  }
0x18c: {  	[tilespmem:s24+$0xA900] =	vst v6;
	v4 =	vld.idx.msk [tilespmem:v53+s3+$0x0], $0xffff  }
0x18d: {  	[tilespmem:s24+$0xA880] =	vst v5;
	v5 =	vld.idx.msk [tilespmem:v54+s3+$0x0], $0xffff  }
0x18e: {  	[tilespmem:s5+$0xA8F0] =	vst v8;
	v6 =	vld.idx.msk [tilespmem:v17+s3+$0x0], $0xffff  }
0x18f: {  	v8 =	vld.idx.msk [tilespmem:v10+s3+$0x0], $0xffff  }
0x190: {  	v3 =	vld [tilespmem:s5+$0x3CF0];
	[tilespmem:s23+$0xAD70] =	vst v14  }
0x191: {  	v14 =	vld [tilespmem:s24+$0x3D00];
	[tilespmem:s5+$0xAD20] =	vst v4  }
0x192: {  	[tilespmem:s24+$0xA910] =	vst v5;
	v5 =	vld.idx.msk [tilespmem:v26+s3+$0x0], $0xffff  }
0x193: {  	[tilespmem:s24+$0xA890] =	vst v6;
	v6 =	vld.idx.msk [tilespmem:v27+s3+$0x0], $0xffff  }
0x194: {  	[tilespmem:s5+$0xAC80] =	vst v8;
	v20 =	vld.idx.msk [tilespmem:v51+s3+$0x0], $0xffff  }
0x195: {  	v19 =	vld.idx.msk [tilespmem:v19+s3+$0x0], $0xffff  }
0x196: {  	v10 =	vld [tilespmem:s5+$0x3D50]  }
0x197: {  	[tilespmem:s5+$0xAD30] =	vst v5;
	v5 =	vld [tilespmem:s24+$0x3940]  }
0x198: {  	v7 =	vld [tilespmem:s24+$0x38C0];
	[tilespmem:s24+$0xA920] =	vst v6  }
0x199: {  	[tilespmem:s24+$0xA8A0] =	vst v20;
	v58 =	vld.idx.msk [tilespmem:v28+s3+$0x0], $0xffff  }
0x19a: {  	[tilespmem:s5+$0xAC90] =	vst v19;
	v22 =	vld.idx.msk [tilespmem:v52+s3+$0x0], $0xffff  }
0x19b: {  	v13 =	vld.idx.msk [tilespmem:v13+s3+$0x0], $0xffff  }
0x19c: {  	v24 =	vld.idx.msk [tilespmem:v57+s3+$0x0], $0xffff  }
0x19d: {  	v8 =	vld [tilespmem:s24+$0x3CA0]  }
0x19e: {  	v19 =	vld [tilespmem:s5+$0x3D70];
	[tilespmem:s24+$0xA930] =	vst v58  }
0x19f: {  	[tilespmem:s24+$0xA8B0] =	vst v22;
	v5 =	vld.idx.msk [tilespmem:v5+s3+$0x0], $0xffff  }
0x1a0: {  	[tilespmem:s5+$0xACA0] =	vst v13;
	v7 =	vld.idx.msk [tilespmem:v7+s3+$0x0], $0xffff  }
0x1a1: {  	v13 =	vld.idx.msk [tilespmem:v15+s3+$0x0], $0xffff;
	[tilespmem:s5+$0xAD40] =	vst v24  }
0x1a2: {  	v10 =	vld.idx.msk [tilespmem:v10+s3+$0x0], $0xffff  }
0x1a3: {  	v17 =	vld [tilespmem:s24+$0x38E0]  }
0x1a4: {  	v4 =	vld [tilespmem:s24+$0x3C80];
	[tilespmem:s24+$0xA940] =	vst v5  }
0x1a5: {  	[tilespmem:s24+$0xA8C0] =	vst v7;
	v7 =	vld.idx.msk [tilespmem:v60+s3+$0x0], $0xffff  }
0x1a6: {  	[tilespmem:s5+$0xACB0] =	vst v13;
	v63 =	vld.idx.msk [tilespmem:v55+s3+$0x0], $0xffff  }
0x1a7: {  	v13 =	vld.idx.msk [tilespmem:v50+s3+$0x0], $0xffff;
	[tilespmem:s5+$0xAD50] =	vst v10  }
0x1a8: {  	v62 =	vld.idx.msk [tilespmem:v59+s3+$0x0], $0xffff  }
0x1a9: {  	v15 =	vld [tilespmem:s24+$0x3970]  }
0x1aa: {  	v6 =	vld [tilespmem:s24+$0x3C90];
	[tilespmem:s24+$0xA950] =	vst v7  }
0x1ab: {  	[tilespmem:s24+$0xA8D0] =	vst v63;
	v20 =	vld.idx.msk [tilespmem:v61+s3+$0x0], $0xffff  }
0x1ac: {  	[tilespmem:s5+$0xACC0] =	vst v13;
	v17 =	vld.idx.msk [tilespmem:v17+s3+$0x0], $0xffff  }
0x1ad: {  	v13 =	vld.idx.msk [tilespmem:v18+s3+$0x0], $0xffff;
	[tilespmem:s5+$0xAD60] =	vst v62  }
0x1ae: {  	v19 =	vld.idx.msk [tilespmem:v19+s3+$0x0], $0xffff  }
0x1af: {  	v10 =	vld [tilespmem:s24+$0x3CB0]  }
0x1b0: {  	v5 =	vld [tilespmem:s24+$0x3CC0];
	[tilespmem:s24+$0xA960] =	vst v20  }
0x1b1: {  	[tilespmem:s24+$0xA8E0] =	vst v17;
	v15 =	vld.idx.msk [tilespmem:v15+s3+$0x0], $0xffff  }
0x1b2: {  	[tilespmem:s22+$0xACE0] =	vst v16;
	v16 =	vld.idx.msk [tilespmem:v56+s3+$0x0], $0xffff  }
0x1b3: {  	s25 =	simm.s32 $0x6;
	s8 =	simm.s32 $0x400;
	s10 =	simm.s32 $0x800;
	v7 =	vld [tilespmem:s24+$0x3CD0];
	[tilespmem:s5+$0xAD70] =	vst v19  }
.LBB2_4:
0x1b4: {  	s30 =	sand.u32 $0x3800, s10;
	s11 =	sand.u32 $0x300, s8;
	[tilespmem:s23+$0xACE0] =	vst v12;
	v12 =	vld.idx.msk [tilespmem:v0+s3+$0x0], $0xffff;
	v0 =	vmov v1;
	v1 =	vmov v3  }
0x1b5: {  	s25 =	sadd.s32 $0x2, s25;
	s11 =	sor.u32 s11, s30;
	v17 =	vld [tilespmem:s24+$0x3D10]  }
0x1b6: {  	p0 =	slt.u32 s25, $0x30;
	v18 =	vld [tilespmem:s11+$0x3900];
	[tilespmem:s24+$0xA970] =	vst v15  }
0x1b7: {  	[tilespmem:s24+$0xA8F0] =	vst v16;
	v14 =	vld.idx.msk [tilespmem:v14+s3+$0x0], $0xffff;
	v3 =	vmov v11  }
0x1b8: {  	v11 =	vld [tilespmem:s11+$0x3880]  }
0x1b9: {  	v15 =	vld [tilespmem:s11+$0x3890];
	[tilespmem:s5+$0xACD0] =	vst v13  }
0x1ba: {  	v13 =	vld [tilespmem:s11+$0x38A0];
	[tilespmem:s22+$0xACF0] =	vst v12;
	s22 =	smov.u32 s23;
	s23 =	smov.u32 s5;
	s5 =	smov.u32 s24  }
0x1bb: {  	s24 =	smov.u32 s11;
	v12 =	vld [tilespmem:s11+$0x38B0]  }
0x1bc: {  	v16 =	vld [tilespmem:s5+$0x3D20]  }
0x1bd: {  	v19 =	vld [tilespmem:s24+$0x3910];
	[tilespmem:s5+$0xAD00] =	vst v14  }
0x1be: {  	v14 =	vld.idx.msk [tilespmem:v17+s3+$0x0], $0xffff  }
0x1bf: {  	v17 =	vld.idx.msk [tilespmem:v18+s3+$0x0], $0xffff  }
0x1c0: {  	v11 =	vld.idx.msk [tilespmem:v11+s3+$0x0], $0xffff  }
0x1c1: {  	v18 =	vld [tilespmem:s24+$0x38C0]  }
0x1c2: {  	v20 =	vld [tilespmem:s24+$0x38D0]  }
0x1c3: {  	v21 =	vld [tilespmem:s5+$0x3D30]  }
0x1c4: {  	v22 =	vld [tilespmem:s24+$0x3920];
	[tilespmem:s5+$0xAD10] =	vst v14  }
0x1c5: {  	[tilespmem:s24+$0xA900] =	vst v17;
	v14 =	vld.idx.msk [tilespmem:v16+s3+$0x0], $0xffff  }
0x1c6: {  	[tilespmem:s24+$0xA880] =	vst v11;
	v11 =	vld.idx.msk [tilespmem:v19+s3+$0x0], $0xffff  }
0x1c7: {  	v15 =	vld.idx.msk [tilespmem:v15+s3+$0x0], $0xffff  }
0x1c8: {  	v16 =	vld [tilespmem:s24+$0x38E0]  }
0x1c9: {  	v17 =	vld [tilespmem:s24+$0x38F0]  }
0x1ca: {  	v19 =	vld [tilespmem:s5+$0x3D40]  }
0x1cb: {  	v23 =	vld [tilespmem:s24+$0x3930];
	[tilespmem:s5+$0xAD20] =	vst v14  }
0x1cc: {  	[tilespmem:s24+$0xA910] =	vst v11;
	v11 =	vld.idx.msk [tilespmem:v21+s3+$0x0], $0xffff  }
0x1cd: {  	[tilespmem:s24+$0xA890] =	vst v15;
	v14 =	vld.idx.msk [tilespmem:v22+s3+$0x0], $0xffff  }
0x1ce: {  	v13 =	vld.idx.msk [tilespmem:v13+s3+$0x0], $0xffff  }
0x1cf: {  	v15 =	vld [tilespmem:s24+$0x3C80]  }
0x1d0: {  	v21 =	vld.idx.msk [tilespmem:v4+s3+$0x0], $0xffff  }
0x1d1: {  	v22 =	vld [tilespmem:s5+$0x3D50]  }
0x1d2: {  	v24 =	vld [tilespmem:s24+$0x3940];
	[tilespmem:s5+$0xAD30] =	vst v11  }
0x1d3: {  	[tilespmem:s24+$0xA920] =	vst v14;
	v11 =	vld.idx.msk [tilespmem:v19+s3+$0x0], $0xffff  }
0x1d4: {  	[tilespmem:s24+$0xA8A0] =	vst v13;
	v13 =	vld.idx.msk [tilespmem:v23+s3+$0x0], $0xffff;
	v4 =	vmov v15  }
0x1d5: {  	v12 =	vld.idx.msk [tilespmem:v12+s3+$0x0], $0xffff  }
0x1d6: {  	v14 =	vld [tilespmem:s24+$0x3C90];
	[tilespmem:s5+$0xAC80] =	vst v21  }
0x1d7: {  	v15 =	vld.idx.msk [tilespmem:v6+s3+$0x0], $0xffff  }
0x1d8: {  	v19 =	vld [tilespmem:s5+$0x3D60]  }
0x1d9: {  	v21 =	vld [tilespmem:s24+$0x3950];
	[tilespmem:s5+$0xAD40] =	vst v11  }
0x1da: {  	[tilespmem:s24+$0xA930] =	vst v13;
	v11 =	vld.idx.msk [tilespmem:v22+s3+$0x0], $0xffff  }
0x1db: {  	[tilespmem:s24+$0xA8B0] =	vst v12;
	v12 =	vld.idx.msk [tilespmem:v24+s3+$0x0], $0xffff;
	v6 =	vmov v14  }
0x1dc: {  	v13 =	vld.idx.msk [tilespmem:v18+s3+$0x0], $0xffff  }
0x1dd: {  	v14 =	vld [tilespmem:s24+$0x3CA0];
	[tilespmem:s5+$0xAC90] =	vst v15  }
0x1de: {  	v15 =	vld.idx.msk [tilespmem:v8+s3+$0x0], $0xffff  }
0x1df: {  	v18 =	vld [tilespmem:s5+$0x3D70]  }
0x1e0: {  	v22 =	vld [tilespmem:s24+$0x3960];
	[tilespmem:s5+$0xAD50] =	vst v11  }
0x1e1: {  	[tilespmem:s24+$0xA940] =	vst v12;
	v11 =	vld.idx.msk [tilespmem:v19+s3+$0x0], $0xffff  }
0x1e2: {  	[tilespmem:s24+$0xA8C0] =	vst v13;
	v12 =	vld.idx.msk [tilespmem:v21+s3+$0x0], $0xffff;
	v8 =	vmov v14  }
0x1e3: {  	v13 =	vld.idx.msk [tilespmem:v20+s3+$0x0], $0xffff  }
0x1e4: {  	v14 =	vld [tilespmem:s24+$0x3CB0];
	[tilespmem:s5+$0xACA0] =	vst v15  }
0x1e5: {  	v15 =	vld.idx.msk [tilespmem:v10+s3+$0x0], $0xffff  }
0x1e6: {  	v19 =	vld [tilespmem:s24+$0x3CC0]  }
0x1e7: {  	v20 =	vld [tilespmem:s24+$0x3970];
	[tilespmem:s5+$0xAD60] =	vst v11  }
0x1e8: {  	[tilespmem:s24+$0xA950] =	vst v12;
	v11 =	vld.idx.msk [tilespmem:v18+s3+$0x0], $0xffff  }
0x1e9: {  	[tilespmem:s24+$0xA8D0] =	vst v13;
	v13 =	vld.idx.msk [tilespmem:v22+s3+$0x0], $0xffff;
	v10 =	vmov v14  }
0x1ea: {  	v16 =	vld.idx.msk [tilespmem:v16+s3+$0x0], $0xffff  }
0x1eb: {  	v18 =	vld [tilespmem:s24+$0x3CD0];
	[tilespmem:s5+$0xACB0] =	vst v15  }
0x1ec: {  	v21 =	vld.idx.msk [tilespmem:v5+s3+$0x0], $0xffff;
	v5 =	vmov v19  }
0x1ed: {  	v19 =	vld [tilespmem:s24+$0x3CE0]  }
0x1ee: {  	[tilespmem:s5+$0xAD70] =	vst v11;
	v12 =	vld.idx.msk [tilespmem:v2+s3+$0x0], $0xffff;
	v2 =	vmov v9  }
.Ltmp1:
0x1ef: {  	[tilespmem:s24+$0xA960] =	vst v13;
	v14 =	vld [tilespmem:s24+$0x3D00];
	(pc) =	sbr.rel @p0 .LBB2_4-.Ltmp1, $4  }
0x1f0: {  	[tilespmem:s24+$0xA8E0] =	vst v16;
	v15 =	vld.idx.msk [tilespmem:v20+s3+$0x0], $0xffff  }
0x1f1: {  	v16 =	vld.idx.msk [tilespmem:v17+s3+$0x0], $0xffff  }
0x1f2: {  	v11 =	vld [tilespmem:s24+$0x3CF0];
	[tilespmem:s5+$0xACC0] =	vst v21;
	v9 =	vmov v19  }
0x1f3: {  	s8 =	sadd.s32 $0x100, s8;
	s10 =	sadd.s32 $0x200, s10;
	v13 =	vld.idx.msk [tilespmem:v7+s3+$0x0], $0xffff;
	v7 =	vmov v18  }
0x1f4: {  	_ =	sdelay $0x1  }
0x1f5: {  	v17 =	vld [tilespmem:s24+$0x3D10]  }
0x1f6: {  	[tilespmem:s24+$0xA970] =	vst v15  }
0x1f7: {  	v14 =	vld.idx.msk [tilespmem:v14+s3+$0x0], $0xffff;
	[tilespmem:s24+$0xA8F0] =	vst v16  }
0x1f8: {  	v4 =	vld.idx.msk [tilespmem:v4+s3+$0x0], $0xffff;
	_ =	sdelay $0x2  }
0x1f9: {  	v53 =	vld [tilespmem:s24+$0x3D20]  }
0x1fa: {  	[tilespmem:s24+$0xAD00] =	vst v14  }
0x1fb: {  	v14 =	vld.idx.msk [tilespmem:v17+s3+$0x0], $0xffff;
	[tilespmem:s24+$0xAC80] =	vst v4  }
0x1fc: {  	v4 =	vld.idx.msk [tilespmem:v6+s3+$0x0], $0xffff;
	_ =	sdelay $0x2  }
0x1fd: {  	v6 =	vld [tilespmem:s24+$0x3D30]  }
0x1fe: {  	[tilespmem:s24+$0xAD10] =	vst v14  }
0x1ff: {  	v14 =	vld.idx.msk [tilespmem:v53+s3+$0x0], $0xffff;
	[tilespmem:s24+$0xAC90] =	vst v4  }
0x200: {  	v4 =	vld.idx.msk [tilespmem:v8+s3+$0x0], $0xffff;
	_ =	sdelay $0x2  }
0x201: {  	v8 =	vld [tilespmem:s24+$0x3D40]  }
0x202: {  	[tilespmem:s24+$0xAD20] =	vst v14  }
0x203: {  	v6 =	vld.idx.msk [tilespmem:v6+s3+$0x0], $0xffff;
	[tilespmem:s24+$0xACA0] =	vst v4  }
0x204: {  	v4 =	vld.idx.msk [tilespmem:v10+s3+$0x0], $0xffff;
	_ =	sdelay $0x2  }
0x205: {  	v10 =	vld [tilespmem:s24+$0x3D50]  }
0x206: {  	[tilespmem:s24+$0xAD30] =	vst v6  }
0x207: {  	v6 =	vld.idx.msk [tilespmem:v8+s3+$0x0], $0xffff;
	[tilespmem:s24+$0xACB0] =	vst v4  }
0x208: {  	v4 =	vld.idx.msk [tilespmem:v5+s3+$0x0], $0xffff;
	_ =	sdelay $0x2  }
0x209: {  	v5 =	vld [tilespmem:s24+$0x3D60]  }
0x20a: {  	[tilespmem:s24+$0xAD40] =	vst v6  }
0x20b: {  	v6 =	vld.idx.msk [tilespmem:v10+s3+$0x0], $0xffff;
	[tilespmem:s24+$0xACC0] =	vst v4  }
0x20c: {  	v4 =	vld.idx.msk [tilespmem:v7+s3+$0x0], $0xffff;
	_ =	sdelay $0x2  }
0x20d: {  	[tilespmem:s5+$0xACD0] =	vst v13;
	v7 =	vld [tilespmem:s24+$0x3D70]  }
0x20e: {  	v2 =	vld.idx.msk [tilespmem:v2+s3+$0x0], $0xffff;
	[tilespmem:s24+$0xAD50] =	vst v6  }
0x20f: {  	v5 =	vld.idx.msk [tilespmem:v5+s3+$0x0], $0xffff;
	[tilespmem:s24+$0xACD0] =	vst v4  }
0x210: {  	v4 =	vld.idx.msk [tilespmem:v9+s3+$0x0], $0xffff;
	_ =	sdelay $0x1  }
0x211: {  	v0 =	vld.idx.msk [tilespmem:v0+s3+$0x0], $0xffff;
	[tilespmem:s23+$0xACE0] =	vst v12  }
0x212: {  	v1 =	vld.idx.msk [tilespmem:v1+s3+$0x0], $0xffff;
	[tilespmem:s5+$0xACE0] =	vst v2  }
0x213: {  	v2 =	vld.idx.msk [tilespmem:v3+s3+$0x0], $0xffff;
	[tilespmem:s24+$0xAD60] =	vst v5  }
0x214: {  	v5 =	vld.idx.msk [tilespmem:v7+s3+$0x0], $0xffff;
	[tilespmem:s24+$0xACE0] =	vst v4  }
0x215: {  	v3 =	vld.idx.msk [tilespmem:v11+s3+$0x0], $0xffff  }
0x216: {  	[tilespmem:s22+$0xACF0] =	vst v0  }
0x217: {  	[tilespmem:s23+$0xACF0] =	vst v1  }
0x218: {  	[tilespmem:s5+$0xACF0] =	vst v2  }
0x219: {  	[tilespmem:s24+$0xAD70] =	vst v5  }
0x21a: {  	s30 =	simm.s32 $0x800;
	[tilespmem:s24+$0xACF0] =	vst v3  }
0x21b: {  	s8 =	simm.s32 $0x20000;
	s10 =	simm.s32 $0xA880;
	s5 =	rddreg [dreg:$0x5]  }
0x21c: {  	[hbm4b:s5+s30] =	stream.strided.scatter [tilespmem:s10], [sflag:$0x4], $0x3800, s8, s30, $0x38;
	[tilespmem:$0xE080] =	vst v63  }
0x21d: {  	_ =	swait.ge [sflag:s29], $0x1C00  }
0x21e: {  	[sflag:s29] =	ssyncset.done $0x0  }
0x21f: {  	[sflag:s29] =	ssyncadd.s32 $0xFFFFE400  }
0x220: {  	s10 =	simm.s32 $0x0;
	_ =	swait.ge [sflag:s19], $0x1C00  }
0x221: {  	s11 =	sand.u32 $0x3800, s10;
	s5 =	sand.u32 $0x300, s10;
	[sflag:s19] =	ssyncset.done $0x0  }
0x222: {  	s5 =	sor.u32 s5, s11;
	[sflag:s19] =	ssyncadd.s32 $0xFFFFE400  }
0x223: {  	v0 =	vld [tilespmem:s5+$0x100]  }
0x224: {  	v1 =	vld [tilespmem:s5+$0x80];
	_ =	sdelay $0x3  }
0x225: {  	v2 =	vld [tilespmem:s5+$0x110]  }
0x226: {  	v3 =	vld [tilespmem:s5+$0x90]  }
0x227: {  	v4 =	vld [tilespmem:s5+$0xA0]  }
0x228: {  	v0 =	vld.idx.msk [tilespmem:v0+s3+$0x0], $0xffff  }
0x229: {  	v1 =	vld.idx.msk [tilespmem:v1+s3+$0x0], $0xffff  }
0x22a: {  	v5 =	vld [tilespmem:s5+$0xB0]  }
0x22b: {  	v6 =	vld [tilespmem:s5+$0xC0]  }
0x22c: {  	v7 =	vld [tilespmem:s5+$0x140]  }
0x22d: {  	s22 =	simm.s32 $0x100;
	s23 =	simm.s32 $0x200;
	[tilespmem:s5+$0x7100] =	vst v0;
	v0 =	vld [tilespmem:s5+$0x120]  }
0x22e: {  	s8 =	sand.u32 $0x300, s22;
	s10 =	sand.u32 $0x3800, s23;
	[tilespmem:s5+$0x7080] =	vst v1;
	v2 =	vld.idx.msk [tilespmem:v2+s3+$0x0], $0xffff  }
0x22f: {  	s22 =	sor.u32 s8, s10;
	v1 =	vld.idx.msk [tilespmem:v3+s3+$0x0], $0xffff  }
0x230: {  	v8 =	vld [tilespmem:s22+$0x80]  }
0x231: {  	v9 =	vld [tilespmem:s22+$0x90]  }
0x232: {  	v10 =	vld [tilespmem:s22+$0xA0]  }
0x233: {  	v11 =	vld [tilespmem:s22+$0x110];
	[tilespmem:s5+$0x7110] =	vst v2  }
0x234: {  	v2 =	vld [tilespmem:s5+$0x130];
	[tilespmem:s5+$0x7090] =	vst v1  }
0x235: {  	v1 =	vld.idx.msk [tilespmem:v4+s3+$0x0], $0xffff  }
0x236: {  	s25 =	simm.s32 $0x400;
	s24 =	simm.s32 $0x200;
	v0 =	vld.idx.msk [tilespmem:v0+s3+$0x0], $0xffff  }
0x237: {  	s10 =	sand.u32 $0x3800, s25;
	s8 =	sand.u32 $0x300, s24;
	v54 =	vld [tilespmem:s22+$0xB0]  }
0x238: {  	s8 =	sor.u32 s8, s10;
	v55 =	vld [tilespmem:s22+$0xC0]  }
0x239: {  	v56 =	vld [tilespmem:s8+$0x90]  }
0x23a: {  	v8 =	vld.idx.msk [tilespmem:v8+s3+$0x0], $0xffff;
	[tilespmem:s5+$0x70A0] =	vst v1  }
0x23b: {  	v1 =	vld [tilespmem:s22+$0x100];
	[tilespmem:s5+$0x7120] =	vst v0  }
0x23c: {  	v2 =	vld.idx.msk [tilespmem:v2+s3+$0x0], $0xffff  }
0x23d: {  	v57 =	vld [tilespmem:s8+$0xA0]  }
0x23e: {  	v58 =	vld [tilespmem:s8+$0x110]  }
0x23f: {  	v59 =	vld [tilespmem:s22+$0x160];
	[tilespmem:s22+$0x7080] =	vst v8  }
0x240: {  	v8 =	vld.idx.msk [tilespmem:v9+s3+$0x0], $0xffff  }
0x241: {  	[tilespmem:s5+$0x7130] =	vst v2;
	v2 =	vld [tilespmem:s5+$0x150]  }
0x242: {  	v7 =	vld.idx.msk [tilespmem:v7+s3+$0x0], $0xffff  }
0x243: {  	v1 =	vld.idx.msk [tilespmem:v1+s3+$0x0], $0xffff  }
0x244: {  	v60 =	vld [tilespmem:s22+$0x170]  }
0x245: {  	[tilespmem:s22+$0x7090] =	vst v8;
	v5 =	vld.idx.msk [tilespmem:v5+s3+$0x0], $0xffff  }
0x246: {  	v8 =	vld.idx.msk [tilespmem:v10+s3+$0x0], $0xffff  }
0x247: {  	[tilespmem:s5+$0x7140] =	vst v7;
	v7 =	vld [tilespmem:s5+$0x160]  }
0x248: {  	[tilespmem:s22+$0x7100] =	vst v1;
	v1 =	vld [tilespmem:s22+$0x120]  }
0x249: {  	v2 =	vld.idx.msk [tilespmem:v2+s3+$0x0], $0xffff  }
0x24a: {  	[tilespmem:s5+$0x70B0] =	vst v5;
	v5 =	vld.idx.msk [tilespmem:v11+s3+$0x0], $0xffff  }
0x24b: {  	v3 =	vld [tilespmem:s5+$0xD0]  }
0x24c: {  	[tilespmem:s22+$0x70A0] =	vst v8;
	v8 =	vld [tilespmem:s8+$0x80]  }
0x24d: {  	v6 =	vld.idx.msk [tilespmem:v6+s3+$0x0], $0xffff  }
0x24e: {  	[tilespmem:s5+$0x7150] =	vst v2;
	v2 =	vld [tilespmem:s5+$0x170]  }
0x24f: {  	[tilespmem:s22+$0x7110] =	vst v5;
	v5 =	vld [tilespmem:s22+$0x130]  }
0x250: {  	v7 =	vld.idx.msk [tilespmem:v7+s3+$0x0], $0xffff  }
0x251: {  	v62 =	vld [tilespmem:s8+$0x130]  }
0x252: {  	[tilespmem:s5+$0x70C0] =	vst v6;
	v6 =	vld.idx.msk [tilespmem:v1+s3+$0x0], $0xffff  }
0x253: {  	v3 =	vld.idx.msk [tilespmem:v3+s3+$0x0], $0xffff  }
0x254: {  	v4 =	vld [tilespmem:s5+$0xE0]  }
0x255: {  	v8 =	vld.idx.msk [tilespmem:v8+s3+$0x0], $0xffff;
	[tilespmem:s5+$0x7160] =	vst v7  }
0x256: {  	v7 =	vld.idx.msk [tilespmem:v2+s3+$0x0], $0xffff  }
0x257: {  	[tilespmem:s22+$0x7120] =	vst v6;
	v2 =	vld [tilespmem:s22+$0x140]  }
0x258: {  	[tilespmem:s5+$0x70D0] =	vst v3;
	v3 =	vld.idx.msk [tilespmem:v5+s3+$0x0], $0xffff  }
0x259: {  	v6 =	vld [tilespmem:s8+$0x100]  }
0x25a: {  	v9 =	vld [tilespmem:s22+$0xD0];
	[tilespmem:s8+$0x7080] =	vst v8  }
0x25b: {  	v12 =	vld.idx.msk [tilespmem:v56+s3+$0x0], $0xffff  }
0x25c: {  	v11 =	vld.idx.msk [tilespmem:v4+s3+$0x0], $0xffff  }
0x25d: {  	[tilespmem:s22+$0x7130] =	vst v3;
	v3 =	vld [tilespmem:s22+$0x150]  }
0x25e: {  	v4 =	vld.idx.msk [tilespmem:v54+s3+$0x0], $0xffff  }
0x25f: {  	v2 =	vld.idx.msk [tilespmem:v2+s3+$0x0], $0xffff  }
0x260: {  	v10 =	vld [tilespmem:s22+$0xE0]  }
0x261: {  	v6 =	vld.idx.msk [tilespmem:v6+s3+$0x0], $0xffff  }
0x262: {  	v0 =	vld [tilespmem:s5+$0xF0];
	[tilespmem:s8+$0x7090] =	vst v12  }
0x263: {  	v14 =	vld.idx.msk [tilespmem:v57+s3+$0x0], $0xffff;
	[tilespmem:s22+$0x70B0] =	vst v4  }
0x264: {  	v4 =	vld.idx.msk [tilespmem:v55+s3+$0x0], $0xffff;
	[tilespmem:s22+$0x7140] =	vst v2  }
0x265: {  	v3 =	vld.idx.msk [tilespmem:v3+s3+$0x0], $0xffff  }
0x266: {  	[tilespmem:s8+$0x7100] =	vst v6;
	v6 =	vld [tilespmem:s8+$0x120]  }
0x267: {  	v1 =	vld [tilespmem:s22+$0xF0]  }
0x268: {  	v8 =	vld.idx.msk [tilespmem:v58+s3+$0x0], $0xffff  }
0x269: {  	v5 =	vld [tilespmem:s8+$0xB0];
	[tilespmem:s22+$0x70C0] =	vst v4  }
0x26a: {  	v9 =	vld.idx.msk [tilespmem:v9+s3+$0x0], $0xffff;
	[tilespmem:s22+$0x7150] =	vst v3  }
0x26b: {  	v61 =	vld.idx.msk [tilespmem:v59+s3+$0x0], $0xffff  }
0x26c: {  	v4 =	vld [tilespmem:s8+$0xE0];
	[tilespmem:s5+$0x7170] =	vst v7  }
0x26d: {  	v7 =	vld [tilespmem:s8+$0xF0];
	[tilespmem:s8+$0x7110] =	vst v8  }
0x26e: {  	v63 =	vld.idx.msk [tilespmem:v6+s3+$0x0], $0xffff  }
0x26f: {  	[tilespmem:s22+$0x70D0] =	vst v9;
	v9 =	vld [tilespmem:s8+$0x140]  }
0x270: {  	v2 =	vld [tilespmem:s8+$0xC0];
	[tilespmem:s22+$0x7160] =	vst v61  }
0x271: {  	v6 =	vld.idx.msk [tilespmem:v60+s3+$0x0], $0xffff  }
0x272: {  	[tilespmem:s5+$0x70E0] =	vst v11;
	v8 =	vld.idx.msk [tilespmem:v10+s3+$0x0], $0xffff  }
0x273: {  	v3 =	vld [tilespmem:s8+$0xD0];
	[tilespmem:s8+$0x7120] =	vst v63  }
0x274: {  	s23 =	simm.s32 $0x300;
	s24 =	simm.s32 $0x600;
	s10 =	simm.s32 $0x4;
	[tilespmem:s8+$0x70A0] =	vst v14;
	v10 =	vld.idx.msk [tilespmem:v62+s3+$0x0], $0xffff  }
.LBB2_6:
0x275: {  	s11 =	sand.u32 $0x3800, s24;
	s25 =	sand.u32 $0x300, s23;
	s10 =	sadd.s32 $0x2, s10;
	v5 =	vld.idx.msk [tilespmem:v5+s3+$0x0], $0xffff  }
0x276: {  	s11 =	sor.u32 s25, s11;
	p0 =	slt.u32 s10, $0x30;
	[tilespmem:s22+$0x7170] =	vst v6;
	v6 =	vld.idx.msk [tilespmem:v0+s3+$0x0], $0xffff;
	v0 =	vmov v1;
	v1 =	vmov v7  }
0x277: {  	v7 =	vld [tilespmem:s11+$0x100]  }
0x278: {  	v11 =	vld [tilespmem:s11+$0x80];
	[tilespmem:s22+$0x70E0] =	vst v8  }
0x279: {  	v8 =	vld [tilespmem:s11+$0x90]  }
0x27a: {  	[tilespmem:s8+$0x7130] =	vst v10;
	v10 =	vld [tilespmem:s8+$0x150]  }
0x27b: {  	[tilespmem:s8+$0x70B0] =	vst v5;
	v9 =	vld.idx.msk [tilespmem:v9+s3+$0x0], $0xffff  }
0x27c: {  	v12 =	vld [tilespmem:s11+$0xA0];
	[tilespmem:s5+$0x70F0] =	vst v6;
	s5 =	smov.u32 s22;
	s22 =	smov.u32 s8;
	s8 =	smov.u32 s11  }
0x27d: {  	v5 =	vld [tilespmem:s8+$0xB0]  }
0x27e: {  	v6 =	vld [tilespmem:s8+$0x110]  }
0x27f: {  	v7 =	vld.idx.msk [tilespmem:v7+s3+$0x0], $0xffff  }
0x280: {  	v11 =	vld.idx.msk [tilespmem:v11+s3+$0x0], $0xffff  }
0x281: {  	[tilespmem:s22+$0x7140] =	vst v9;
	v9 =	vld [tilespmem:s22+$0x160]  }
0x282: {  	v10 =	vld.idx.msk [tilespmem:v10+s3+$0x0], $0xffff  }
0x283: {  	v13 =	vld [tilespmem:s8+$0xC0]  }
0x284: {  	v14 =	vld.idx.msk [tilespmem:v2+s3+$0x0], $0xffff  }
0x285: {  	[tilespmem:s8+$0x7100] =	vst v7;
	v7 =	vld [tilespmem:s8+$0x120]  }
0x286: {  	[tilespmem:s8+$0x7080] =	vst v11;
	v6 =	vld.idx.msk [tilespmem:v6+s3+$0x0], $0xffff  }
0x287: {  	v8 =	vld.idx.msk [tilespmem:v8+s3+$0x0], $0xffff  }
0x288: {  	[tilespmem:s22+$0x7150] =	vst v10;
	v10 =	vld [tilespmem:s22+$0x170];
	v2 =	vmov v13  }
0x289: {  	v9 =	vld.idx.msk [tilespmem:v9+s3+$0x0], $0xffff  }
0x28a: {  	v11 =	vld [tilespmem:s8+$0xD0];
	[tilespmem:s22+$0x70C0] =	vst v14  }
0x28b: {  	v13 =	vld.idx.msk [tilespmem:v3+s3+$0x0], $0xffff  }
0x28c: {  	[tilespmem:s8+$0x7110] =	vst v6;
	v14 =	vld [tilespmem:s8+$0x130]  }
0x28d: {  	[tilespmem:s8+$0x7090] =	vst v8;
	v15 =	vld.idx.msk [tilespmem:v7+s3+$0x0], $0xffff  }
0x28e: {  	v12 =	vld.idx.msk [tilespmem:v12+s3+$0x0], $0xffff  }
0x28f: {  	v16 =	vld [tilespmem:s8+$0xE0];
	[tilespmem:s22+$0x7160] =	vst v9;
	v3 =	vmov v11  }
.Ltmp2:
0x290: {  	v6 =	vld.idx.msk [tilespmem:v10+s3+$0x0], $0xffff;
	(pc) =	sbr.rel @p0 .LBB2_6-.Ltmp2, $4  }
0x291: {  	v7 =	vld [tilespmem:s8+$0xF0];
	[tilespmem:s22+$0x70D0] =	vst v13  }
0x292: {  	v8 =	vld.idx.msk [tilespmem:v4+s3+$0x0], $0xffff  }
0x293: {  	[tilespmem:s8+$0x7120] =	vst v15;
	v9 =	vld [tilespmem:s8+$0x140]  }
0x294: {  	s23 =	sadd.s32 $0x100, s23;
	s24 =	sadd.s32 $0x200, s24;
	[tilespmem:s8+$0x70A0] =	vst v12;
	v10 =	vld.idx.msk [tilespmem:v14+s3+$0x0], $0xffff;
	v4 =	vmov v16  }
0x295: {  	_ =	sdelay $0x3  }
0x296: {  	v5 =	vld.idx.msk [tilespmem:v5+s3+$0x0], $0xffff;
	_ =	sdelay $0x2  }
0x297: {  	v61 =	vld [tilespmem:s8+$0x150]  }
0x298: {  	[tilespmem:s8+$0x7130] =	vst v10  }
0x299: {  	v9 =	vld.idx.msk [tilespmem:v9+s3+$0x0], $0xffff;
	[tilespmem:s8+$0x70B0] =	vst v5  }
0x29a: {  	v2 =	vld.idx.msk [tilespmem:v2+s3+$0x0], $0xffff;
	_ =	sdelay $0x2  }
0x29b: {  	v62 =	vld [tilespmem:s8+$0x160]  }
0x29c: {  	[tilespmem:s8+$0x7140] =	vst v9  }
0x29d: {  	v9 =	vld.idx.msk [tilespmem:v61+s3+$0x0], $0xffff;
	[tilespmem:s8+$0x70C0] =	vst v2  }
0x29e: {  	v2 =	vld.idx.msk [tilespmem:v3+s3+$0x0], $0xffff;
	_ =	sdelay $0x2  }
0x29f: {  	v63 =	vld [tilespmem:s8+$0x170]  }
0x2a0: {  	[tilespmem:s8+$0x7150] =	vst v9  }
0x2a1: {  	v5 =	vld.idx.msk [tilespmem:v62+s3+$0x0], $0xffff;
	[tilespmem:s8+$0x70D0] =	vst v2  }
0x2a2: {  	v2 =	vld.idx.msk [tilespmem:v4+s3+$0x0], $0xffff;
	_ =	sdelay $0x2  }
0x2a3: {  	v0 =	vld.idx.msk [tilespmem:v0+s3+$0x0], $0xffff;
	[tilespmem:s22+$0x70E0] =	vst v8  }
0x2a4: {  	v1 =	vld.idx.msk [tilespmem:v1+s3+$0x0], $0xffff;
	[tilespmem:s8+$0x7160] =	vst v5  }
0x2a5: {  	v3 =	vld.idx.msk [tilespmem:v63+s3+$0x0], $0xffff;
	[tilespmem:s8+$0x70E0] =	vst v2  }
0x2a6: {  	v2 =	vld.idx.msk [tilespmem:v7+s3+$0x0], $0xffff  }
0x2a7: {  	[tilespmem:s22+$0x7170] =	vst v6  }
0x2a8: {  	[tilespmem:s5+$0x70F0] =	vst v0  }
0x2a9: {  	[tilespmem:s22+$0x70F0] =	vst v1  }
0x2aa: {  	[tilespmem:s8+$0x7170] =	vst v3  }
0x2ab: {  	s25 =	simm.s32 $0x7080;
	[tilespmem:s8+$0x70F0] =	vst v2  }
0x2ac: {  	[hbm4b:s9+s3] =	stream.linear.scatter [tilespmem:s25], [sflag:$0x3], $0x400, $0x38;
	[tilespmem:$0xE080] =	vst v63  }
0x2ad: {  	s8 =	sadd.s32 $0x4000, s9  }
0x2ae: {  	[hbm4b:s8+s3] =	stream.linear.scatter [tilespmem:s31], [sflag:$0x3], $0x400, $0x38;
	[tilespmem:$0xE080] =	vst v63  }
0x2af: {  	s10 =	sadd.s32 $0x8000, s9  }
0x2b0: {  	[hbm4b:s10+s3] =	stream.linear.scatter [tilespmem:s0], [sflag:$0x3], $0x400, $0x38;
	[tilespmem:$0xE080] =	vst v63  }
0x2b1: {  	s11 =	sadd.s32 $0xC000, s9  }
0x2b2: {  	[hbm4b:s11+s3] =	stream.linear.scatter [tilespmem:s2], [sflag:$0x3], $0x400, $0x38;
	[tilespmem:$0xE080] =	vst v63  }
0x2b3: {  	s22 =	sadd.s32 $0x10000, s9  }
0x2b4: {  	[hbm4b:s22+s3] =	stream.linear.scatter [tilespmem:s1], [sflag:$0x3], $0x400, $0x38;
	[tilespmem:$0xE080] =	vst v63  }
0x2b5: {  	s23 =	sadd.s32 $0x14000, s9  }
0x2b6: {  	[hbm4b:s23+s3] =	stream.linear.scatter [tilespmem:s26], [sflag:$0x3], $0x400, $0x38;
	[tilespmem:$0xE080] =	vst v63  }
0x2b7: {  	s24 =	sadd.s32 $0x18000, s9  }
0x2b8: {  	[hbm4b:s24+s3] =	stream.linear.scatter [tilespmem:s17], [sflag:$0x3], $0x400, $0x38;
	[tilespmem:$0xE080] =	vst v63  }
0x2b9: {  	_ =	swait.ge [sflag:s19], $0x1C00  }
0x2ba: {  	[sflag:s19] =	ssyncset.done $0x0  }
0x2bb: {  	[sflag:s19] =	ssyncadd.s32 $0xFFFFE400  }
0x2bc: {  	_ =	swait.ge [sflag:s20], $0x3800  }
0x2bd: {  	s21 =	sadd.s32 $0x1, s21;
	s25 =	rddreg [dreg:$0x6]  }
0x2be: {  	p0 =	sne.s32 s21, s25  }
.Ltmp3:
0x2bf: {  	_ = 	snop;
	(pc) =	sbr.rel @p0 .LBB2_1-.Ltmp3, $3  }
0x2c0: {  	_ =	sdelay $0x1  }
0x2c1: {  	[sflag:s20] =	ssyncset.done $0x0  }
0x2c2: {  	s11 =	simm.s32 $0x80;
	[sflag:s20] =	ssyncadd.s32 $0xFFFFC800  }
0x2c3: {  	_ =	sfence.sel $0x180000  }
0x2c4: {  	[bflag:$0x0] =	sbarrier.arrive $0xFFFF  }
0x2c5: {  	_ =	strace $0x90000047  }
0x2c6: {  	s0 =	stileid.u32;
	[bflag:$0x2] =	sbarrier.arrive $0xFFFF  }
0x2c7: {  	p0 =	sne.s32 s0, $0x0;
	s0 =	rddreg [dreg:$0x3]  }
0x2c8: {  	s0 =	sadd.s32 @!p0 $0x100000, s0  }
0x2c9: {  	[sflag:s0] =	ssyncadd.tile.s32 @!p0 $0x1;
	_ =	shalt  }
.Lfunc_end2:
_tile_overlayer_lowered:
.L_overlay_start_2:
0x2ca: {  	(tag) =	ssettag $0x2  }
0x2cb: {  	s0 =	rddreg [dreg:$0x0];
	s2 =	stileid.u32  }
0x2cc: {  	s1 =	rddreg [dreg:$0x1];
	p0 =	sne.s32 s2, $0x0  }
0x2cd: {  	s3 =	rddreg [dreg:$0x2];
	[bflag:$0x3] =	sbarrier.arrive $0xFFFF;
	s2 =	simm.s32 @!p0 $0x1C05  }
0x2ce: {  	[timem:s3], [sflag:s2] =	dma.local @!p0 [hbm:s0], s1  }
0x2cf: {  	s0 =	simm.s32 @!p0 $0x5  }
0x2d0: {  	_ =	swait.ge @!p0 [sflag:s0], s1  }
0x2d1: {  	s1 =	ssub.s32 @!p0 $0x0, s1;
	[sflag:s0] =	ssyncset.done @!p0 $0x0  }
0x2d2: {  	[sflag:s0] =	ssyncadd.s32 @!p0 s1  }
0x2d3: {  	[bflag:$0x3] =	sbarrier.arrive $0xFFFF  }
0x2d4: {  	_ =	shalt  }

</sc_bundles>
